<compile_context>
chip_gen: v7x
topology: tpu7x:2x2x1
jax: 0.10.2.dev20260603
libtpu: 0.0.44.dev20260713+nightly
codegen_flags: <defaults>
</compile_context>

<pallas_src>
import functools
import jax
import jax.numpy as jnp
from jax import lax
from jax.experimental import pallas as pl
from jax.experimental.pallas import tpu as pltpu
from jax.experimental.pallas import tpu_sc as plsc

NC = 2
NS = 16
NW = NC * NS
LANES = 16
K = 128
EPS = 1e-5


def _deg_body(CH_A, CH_B, NPAD, dst_hbm, out_hbm, dst_v, hist):
    c = lax.axis_index("c")
    s = lax.axis_index("s")
    wid = s * NC + c
    nch = jnp.where(c == 0, CH_A, CH_B)
    zeros = jnp.zeros((LANES,), jnp.float32)

    @pl.loop(0, NPAD // LANES)
    def _zero(r):
        hist[pl.ds(r * LANES, LANES)] = zeros

    pltpu.sync_copy(dst_hbm.at[wid], dst_v)
    ones = jnp.ones((LANES,), jnp.float32)

    @pl.loop(0, nch)
    def _hist(j):
        for k in range(K // LANES):
            idx = dst_v[j, pl.ds(k * LANES, LANES)]
            plsc.addupdate_scatter(hist, [idx], ones)

    pltpu.sync_copy(hist, out_hbm.at[wid])


def _agg_body(CH_A, CH_B, RPT, h2_hbm, src_hbm, dst_hbm, out_hbm,
              src_v, dst_v, gbuf, agg_sh, sem):
    c = lax.axis_index("c")
    s = lax.axis_index("s")
    wid = s * NC + c
    nch = jnp.where(c == 0, CH_A, CH_B)
    zeros = jnp.zeros((LANES,), jnp.float32)
    H = gbuf.shape[2]

    @pl.loop(0, K)
    def _zero(r):
        for k in range(H // LANES):
            gbuf[0, r, pl.ds(k * LANES, LANES)] = zeros

    base = s * RPT
    off = 0
    while off < RPT:
        step = min(K, RPT - off)
        pltpu.sync_copy(gbuf.at[0, pl.ds(0, step)],
                        agg_sh.at[pl.ds(base + off, step)])
        off += step

    pltpu.sync_copy(src_hbm.at[wid], src_v)
    pltpu.sync_copy(dst_hbm.at[wid], dst_v)
    plsc.subcore_barrier()

    @pl.loop(0, nch)
    def _edges(j):
        pltpu.async_copy(h2_hbm.at[src_v.at[j]], gbuf.at[0], sem).wait()
        pltpu.sync_copy(gbuf.at[0], agg_sh.at[dst_v.at[j]], add=True)

    plsc.subcore_barrier()
    pltpu.sync_copy(agg_sh.at[pl.ds(base, RPT)],
                    out_hbm.at[c, pl.ds(base, RPT)])


def _h2_body(x_ref, w_ref, degp_ref, h2_ref, dinv_ref):
    deg = jnp.sum(degp_ref[...], axis=0) + 1.0
    dinv = lax.rsqrt(deg)
    h = jnp.dot(x_ref[...], w_ref[...], preferred_element_type=jnp.float32)
    h2_ref[...] = h * dinv[:, None]
    dinv_ref[...] = dinv[:, None]


def _bn_body(N, p_ref, h2_ref, dinv_ref, b_ref, gamma_ref, beta_ref, out_ref):
    pre = p_ref[0, :N, :] + p_ref[1, :N, :] + h2_ref[:N, :]
    pre = pre * dinv_ref[:N, :] + b_ref[...][None, :]
    mean = jnp.mean(pre, axis=0)
    var = jnp.mean((pre - mean[None, :]) ** 2, axis=0)
    out = (pre - mean[None, :]) * lax.rsqrt(var + EPS) * gamma_ref[...][None, :]
    out = out + beta_ref[...][None, :]
    out_ref[...] = jnp.maximum(out, 0.0)


def kernel(x, adj_t, W, b, gamma, beta):
    N, D = x.shape
    H = W.shape[1]
    E = adj_t.shape[1]

    FAST_SHARE = 0.588
    CH_A = -(-int(E * FAST_SHARE) // (NS * K))
    CH_B = -(-(E - NS * K * CH_A) // (NS * K))
    CH_B = max(CH_B, 1)
    CH = CH_A
    NPAD = -(-(N + 1) // 1024) * 1024
    RPT = NPAD // NS

    src = adj_t[0]
    dst = adj_t[1]
    sizes = [(CH_A if wid % NC == 0 else CH_B) * K for wid in range(NW)]
    cap = sum(sizes)
    src_f = jnp.concatenate([src, jnp.zeros((cap - E,), jnp.int32)])
    dst_f = jnp.concatenate([dst, jnp.full((cap - E,), N, jnp.int32)])
    srows = []
    drows = []
    off = 0
    for wid in range(NW):
        seg_s = src_f[off:off + sizes[wid]]
        seg_d = dst_f[off:off + sizes[wid]]
        fill = CH * K - sizes[wid]
        if fill:
            seg_s = jnp.concatenate([seg_s, jnp.zeros((fill,), jnp.int32)])
            seg_d = jnp.concatenate([seg_d, jnp.full((fill,), N, jnp.int32)])
        srows.append(seg_s.reshape(CH, K))
        drows.append(seg_d.reshape(CH, K))
        off += sizes[wid]
    src2d = jnp.stack(srows)
    dst2d = jnp.stack(drows)
    x_p = jnp.pad(x, ((0, NPAD - N), (0, 0)))

    mesh = plsc.VectorSubcoreMesh(core_axis_name="c", subcore_axis_name="s")

    degp = pl.kernel(
        functools.partial(_deg_body, CH_A, CH_B, NPAD),
        out_type=jax.ShapeDtypeStruct((NW, NPAD), jnp.float32),
        mesh=mesh,
        compiler_params=pltpu.CompilerParams(needs_layout_passes=False),
        scratch_types=[
            pltpu.VMEM((CH, K), jnp.int32),
            pltpu.VMEM((NPAD,), jnp.float32),
        ],
    )(dst2d)

    RB = NPAD // 8
    h2, dinv = pl.pallas_call(
        _h2_body,
        grid=(NPAD // RB,),
        in_specs=[
            pl.BlockSpec((RB, D), lambda i: (i, 0)),
            pl.BlockSpec((D, H), lambda i: (0, 0)),
            pl.BlockSpec((NW, RB), lambda i: (0, i)),
        ],
        out_specs=[
            pl.BlockSpec((RB, H), lambda i: (i, 0)),
            pl.BlockSpec((RB, 1), lambda i: (i, 0)),
        ],
        out_shape=[
            jax.ShapeDtypeStruct((NPAD, H), jnp.float32),
            jax.ShapeDtypeStruct((NPAD, 1), jnp.float32),
        ],
    )(x_p, W, degp)

    parts = pl.kernel(
        functools.partial(_agg_body, CH_A, CH_B, RPT),
        out_type=jax.ShapeDtypeStruct((NC, NPAD, H), jnp.float32),
        mesh=mesh,
        compiler_params=pltpu.CompilerParams(needs_layout_passes=False),
        scratch_types=[
            pltpu.VMEM((CH, K), jnp.int32),
            pltpu.VMEM((CH, K), jnp.int32),
            pltpu.VMEM((1, K, H), jnp.float32),
            pltpu.VMEM_SHARED((NPAD, H), jnp.float32),
            pltpu.SemaphoreType.DMA,
        ],
    )(h2, src2d, dst2d)

    out = pl.pallas_call(
        functools.partial(_bn_body, N),
        out_shape=jax.ShapeDtypeStruct((N, H), jnp.float32),
    )(parts, h2, dinv, b, gamma, beta)
    return out

# --- scband reference (transcript-rebuilt; emitter-appended) ---
"""Pipeline reference for scband-gcn-p-1623497638173 (READ-ONLY COPY).

The authoritative reference and input builder live on the scoring server;
editing this copy changes nothing except your own understanding.
"""

import jax, jax.numpy as jnp
import numpy as np

N = 10000
E = 320000
D = 128
H = 128
EPS = 1e-5


def setup_inputs(seed: int = 0) -> dict:
    key = jax.random.key(seed)
    k1, k2, k3 = jax.random.split(key, 3)
    x = jax.random.normal(k1, (N, D), dtype=jnp.float32)
    edge_index = jax.random.randint(k2, (2, E), 0, N, dtype=jnp.int32)
    # GCNConv linear weight (glorot-ish init) and bias
    W = jax.random.normal(k3, (D, H), dtype=jnp.float32) * (1.0 / np.sqrt(D))
    b = jnp.zeros((H,), dtype=jnp.float32)
    # BatchNorm1d affine params
    gamma = jnp.ones((H,), dtype=jnp.float32)
    beta = jnp.zeros((H,), dtype=jnp.float32)
    return {"x": x, "adj_t": edge_index, "W": W, "b": b, "gamma": gamma, "beta": beta}


def reference(x, adj_t, W, b, gamma, beta):
    edge_index = adj_t
    loops = jnp.arange(N, dtype=edge_index.dtype)
    src = jnp.concatenate([edge_index[0], loops])  # message sources
    dst = jnp.concatenate([edge_index[1], loops])  # message targets
    # symmetric GCN normalization with self-loops (PyG GCNConv default)
    deg = jnp.zeros((N,), dtype=x.dtype).at[dst].add(1.0)
    dinv = jnp.where(deg > 0, 1.0 / jnp.sqrt(deg), 0.0)
    norm = dinv[src] * dinv[dst]
    # linear transform then gather/scatter-add aggregation
    h = x @ W
    msg = h[src] * norm[:, None]
    out = jnp.zeros((N, H), dtype=x.dtype).at[dst].add(msg) + b
    # BatchNorm1d (training-mode batch statistics, biased variance)
    mean = jnp.mean(out, axis=0)
    var = jnp.mean((out - mean) ** 2, axis=0)
    out = (out - mean) / jnp.sqrt(var + EPS) * gamma + beta
    # ReLU; dropout is identity in eval
    return jax.nn.relu(out)

if __name__ == "__main__":
    import jax
    _d = setup_inputs()
    print(jax.jit(kernel)(*tuple(_d.values())))

</pallas_src>

<mosaic_0001>
#map = affine_map<(d0, d1) -> (0, 0)>
#map1 = affine_map<(d0, d1) -> (0, 0, 0)>
module attributes {stable_mosaic.version = 14 : i64} {
  func.func @_agg_body(%arg0: i32, %arg1: i32, %arg2: memref<10240x128xf32, #tpu.memory_space<hbm>>, %arg3: memref<32x92x128xi32, #tpu.memory_space<hbm>>, %arg4: memref<32x92x128xi32, #tpu.memory_space<hbm>>, %arg5: memref<2x10240x128xf32, #tpu.memory_space<hbm>>, %arg6: memref<92x128xi32, #tpu.memory_space<vmem>>, %arg7: memref<92x128xi32, #tpu.memory_space<vmem>>, %arg8: memref<1x128x128xf32, #tpu.memory_space<vmem>>, %arg9: memref<10240x128xf32, #tpu.memory_space<vmem_shared>>, %arg10: memref<!tpu.dma_semaphore, #tpu.memory_space<semaphore_mem>>) attributes {dimension_semantics = [#tpu.dimension_semantics<core_parallel>, #tpu.dimension_semantics<subcore_parallel>], iteration_bounds = array<i64: 2, 16>, scalar_prefetch = 0 : i64, scratch_operands = 5 : i64, tpu.core_type = #tpu.core_type<sc_vector_subcore>, window_params = [{transform_indices = #map}, {transform_indices = #map1}, {transform_indices = #map1}, {transform_indices = #map1}]} {
    %mul3A = arith.constant 2 : i32
    %mul3A_0 = arith.muli %arg1, %mul3A : i32
    %add3A = arith.addi %mul3A_0, %arg0 : i32
    %eq3A = arith.constant 0 : i32
    %eq3A_1 = arith.cmpi eq, %arg0, %eq3A : i32
    %jit3A = arith.constant 92 : i32
    %jit3A_2 = arith.constant 65 : i32
    %select_n3A = arith.select %eq3A_1, %jit3A, %jit3A_2 : i32
    %broadcast_in_dim3A = arith.constant 0.000000e+00 : f32
    %broadcast_in_dim3A_3 = vector.broadcast %broadcast_in_dim3A : f32 to vector<16xf32>
    %scan3A = arith.constant 0 : i32
    %scan3A_4 = arith.constant 128 : i32
    %scan3A_5 = arith.addi %scan3A, %scan3A_4 : i32
    %scan3A_6 = arith.constant 1 : i32
    scf.for %scan3A_41 = %scan3A to %scan3A_5 step %scan3A_6  : i32 {
      %mul3A_42 = arith.constant 1 : i32
      %mul3A_43 = arith.muli %scan3A_41, %mul3A_42 : i32
      %add3A_44 = arith.constant 0 : i32
      %add3A_45 = arith.addi %add3A_44, %mul3A_43 : i32
      %swap3A = arith.constant 0 : i32
      %swap3A_46 = arith.index_cast %swap3A : i32 to index
      %swap3A_47 = arith.index_cast %add3A_45 : i32 to index
      %swap3A_48 = arith.constant 0 : index
      %swap3A_49 = tpu.vector_load %arg8[%swap3A_46, %swap3A_47, %swap3A_48] {strides = array<i32>} : memref<1x128x128xf32, #tpu.memory_space<vmem>>, vector<16xf32>,
      tpu.vector_store %arg8[%swap3A_46, %swap3A_47, %swap3A_48], %broadcast_in_dim3A_3 {strides = array<i32>} : memref<1x128x128xf32, #tpu.memory_space<vmem>>, vector<16xf32>,
      %swap3A_50 = arith.constant 0 : i32
      %swap3A_51 = arith.index_cast %swap3A_50 : i32 to index
      %swap3A_52 = arith.index_cast %add3A_45 : i32 to index
      %swap3A_53 = arith.constant 16 : index
      %swap3A_54 = tpu.vector_load %arg8[%swap3A_51, %swap3A_52, %swap3A_53] {strides = array<i32>} : memref<1x128x128xf32, #tpu.memory_space<vmem>>, vector<16xf32>,
      tpu.vector_store %arg8[%swap3A_51, %swap3A_52, %swap3A_53], %broadcast_in_dim3A_3 {strides = array<i32>} : memref<1x128x128xf32, #tpu.memory_space<vmem>>, vector<16xf32>,
      %swap3A_55 = arith.constant 0 : i32
      %swap3A_56 = arith.index_cast %swap3A_55 : i32 to index
      %swap3A_57 = arith.index_cast %add3A_45 : i32 to index
      %swap3A_58 = arith.constant 32 : index
      %swap3A_59 = tpu.vector_load %arg8[%swap3A_56, %swap3A_57, %swap3A_58] {strides = array<i32>} : memref<1x128x128xf32, #tpu.memory_space<vmem>>, vector<16xf32>,
      tpu.vector_store %arg8[%swap3A_56, %swap3A_57, %swap3A_58], %broadcast_in_dim3A_3 {strides = array<i32>} : memref<1x128x128xf32, #tpu.memory_space<vmem>>, vector<16xf32>,
      %swap3A_60 = arith.constant 0 : i32
      %swap3A_61 = arith.index_cast %swap3A_60 : i32 to index
      %swap3A_62 = arith.index_cast %add3A_45 : i32 to index
      %swap3A_63 = arith.constant 48 : index
      %swap3A_64 = tpu.vector_load %arg8[%swap3A_61, %swap3A_62, %swap3A_63] {strides = array<i32>} : memref<1x128x128xf32, #tpu.memory_space<vmem>>, vector<16xf32>,
      tpu.vector_store %arg8[%swap3A_61, %swap3A_62, %swap3A_63], %broadcast_in_dim3A_3 {strides = array<i32>} : memref<1x128x128xf32, #tpu.memory_space<vmem>>, vector<16xf32>,
      %swap3A_65 = arith.constant 0 : i32
      %swap3A_66 = arith.index_cast %swap3A_65 : i32 to index
      %swap3A_67 = arith.index_cast %add3A_45 : i32 to index
      %swap3A_68 = arith.constant 64 : index
      %swap3A_69 = tpu.vector_load %arg8[%swap3A_66, %swap3A_67, %swap3A_68] {strides = array<i32>} : memref<1x128x128xf32, #tpu.memory_space<vmem>>, vector<16xf32>,
      tpu.vector_store %arg8[%swap3A_66, %swap3A_67, %swap3A_68], %broadcast_in_dim3A_3 {strides = array<i32>} : memref<1x128x128xf32, #tpu.memory_space<vmem>>, vector<16xf32>,
      %swap3A_70 = arith.constant 0 : i32
      %swap3A_71 = arith.index_cast %swap3A_70 : i32 to index
      %swap3A_72 = arith.index_cast %add3A_45 : i32 to index
      %swap3A_73 = arith.constant 80 : index
      %swap3A_74 = tpu.vector_load %arg8[%swap3A_71, %swap3A_72, %swap3A_73] {strides = array<i32>} : memref<1x128x128xf32, #tpu.memory_space<vmem>>, vector<16xf32>,
      tpu.vector_store %arg8[%swap3A_71, %swap3A_72, %swap3A_73], %broadcast_in_dim3A_3 {strides = array<i32>} : memref<1x128x128xf32, #tpu.memory_space<vmem>>, vector<16xf32>,
      %swap3A_75 = arith.constant 0 : i32
      %swap3A_76 = arith.index_cast %swap3A_75 : i32 to index
      %swap3A_77 = arith.index_cast %add3A_45 : i32 to index
      %swap3A_78 = arith.constant 96 : index
      %swap3A_79 = tpu.vector_load %arg8[%swap3A_76, %swap3A_77, %swap3A_78] {strides = array<i32>} : memref<1x128x128xf32, #tpu.memory_space<vmem>>, vector<16xf32>,
      tpu.vector_store %arg8[%swap3A_76, %swap3A_77, %swap3A_78], %broadcast_in_dim3A_3 {strides = array<i32>} : memref<1x128x128xf32, #tpu.memory_space<vmem>>, vector<16xf32>,
      %swap3A_80 = arith.constant 0 : i32
      %swap3A_81 = arith.index_cast %swap3A_80 : i32 to index
      %swap3A_82 = arith.index_cast %add3A_45 : i32 to index
      %swap3A_83 = arith.constant 112 : index
      %swap3A_84 = tpu.vector_load %arg8[%swap3A_81, %swap3A_82, %swap3A_83] {strides = array<i32>} : memref<1x128x128xf32, #tpu.memory_space<vmem>>, vector<16xf32>,
      tpu.vector_store %arg8[%swap3A_81, %swap3A_82, %swap3A_83], %broadcast_in_dim3A_3 {strides = array<i32>} : memref<1x128x128xf32, #tpu.memory_space<vmem>>, vector<16xf32>,
    }
    %scan3A_7 = arith.constant 128 : i32
    %mul3A_8 = arith.constant 640 : i32
    %mul3A_9 = arith.muli %arg1, %mul3A_8 : i32
    %add3A_10 = arith.constant 0 : i32
    %add3A_11 = arith.addi %mul3A_9, %add3A_10 : i32
    %run_scoped3A = arith.constant 0 : i32
    "tpu.region"() ({
      %run_scoped3A_41 = tpu.sem_alloc : memref<!tpu.dma_semaphore, #tpu.memory_space<semaphore_mem>>
      %dma_start3A = arith.constant 0 : i32
      %dma_start3A_42 = arith.constant 0 : i32
      %dma_start3A_43 = tpu.memref_slice %arg8[%run_scoped3A, %dma_start3A, %dma_start3A_42] : memref<1x128x128xf32, #tpu.memory_space<vmem>> -> memref<1x128x128xf32, #tpu.memory_space<vmem>>
      %dma_start3A_44 = tpu.memref_squeeze %dma_start3A_43 : memref<1x128x128xf32, #tpu.memory_space<vmem>> -> memref<128x128xf32, #tpu.memory_space<vmem>>
      %dma_start3A_45 = arith.constant 0 : i32
      %dma_start3A_46 = tpu.memref_slice %arg9[%add3A_11, %dma_start3A_45] : memref<10240x128xf32, #tpu.memory_space<vmem_shared>> -> memref<128x128xf32, #tpu.memory_space<vmem_shared>>
      %dma_start3A_47 = arith.constant 0 : i32
      %dma_start3A_48 = tpu.memref_slice %arg9[%add3A_11, %dma_start3A_47] : memref<10240x128xf32, #tpu.memory_space<vmem_shared>> -> memref<128x128xf32, #tpu.memory_space<vmem_shared>>
      %dma_start3A_49 = arith.constant 0 : i32
      %dma_start3A_50 = arith.constant 0 : i32
      %dma_start3A_51 = tpu.memref_slice %arg8[%run_scoped3A, %dma_start3A_49, %dma_start3A_50] : memref<1x128x128xf32, #tpu.memory_space<vmem>> -> memref<1x128x128xf32, #tpu.memory_space<vmem>>
      %dma_start3A_52 = tpu.memref_squeeze %dma_start3A_51 : memref<1x128x128xf32, #tpu.memory_space<vmem>> -> memref<128x128xf32, #tpu.memory_space<vmem>>
      tpu.enqueue_dma source(%dma_start3A_52 : memref<128x128xf32, #tpu.memory_space<vmem>>) target(%dma_start3A_48 : memref<128x128xf32, #tpu.memory_space<vmem_shared>>) target_semaphore(%run_scoped3A_41 : memref<!tpu.dma_semaphore, #tpu.memory_space<semaphore_mem>>)
      %dma_wait3A = arith.constant 0 : i32
      %dma_wait3A_53 = arith.constant 0 : i32
      %dma_wait3A_54 = tpu.memref_slice %arg8[%run_scoped3A, %dma_wait3A, %dma_wait3A_53] : memref<1x128x128xf32, #tpu.memory_space<vmem>> -> memref<1x128x128xf32, #tpu.memory_space<vmem>>
      %dma_wait3A_55 = tpu.memref_squeeze %dma_wait3A_54 : memref<1x128x128xf32, #tpu.memory_space<vmem>> -> memref<128x128xf32, #tpu.memory_space<vmem>>
      %dma_wait3A_56 = arith.constant 0 : i32
      %dma_wait3A_57 = tpu.memref_slice %arg9[%add3A_11, %dma_wait3A_56] : memref<10240x128xf32, #tpu.memory_space<vmem_shared>> -> memref<128x128xf32, #tpu.memory_space<vmem_shared>>
      %dma_wait3A_58 = arith.constant 0 : i32
      %dma_wait3A_59 = tpu.memref_slice %arg9[%add3A_11, %dma_wait3A_58] : memref<10240x128xf32, #tpu.memory_space<vmem_shared>> -> memref<128x128xf32, #tpu.memory_space<vmem_shared>>
      %dma_wait3A_60 = arith.constant 0 : i32
      %dma_wait3A_61 = arith.constant 0 : i32
      %dma_wait3A_62 = tpu.memref_slice %arg8[%run_scoped3A, %dma_wait3A_60, %dma_wait3A_61] : memref<1x128x128xf32, #tpu.memory_space<vmem>> -> memref<1x128x128xf32, #tpu.memory_space<vmem>>
      %dma_wait3A_63 = tpu.memref_squeeze %dma_wait3A_62 : memref<1x128x128xf32, #tpu.memory_space<vmem>> -> memref<128x128xf32, #tpu.memory_space<vmem>>
      tpu.wait_dma2 semaphore(%run_scoped3A_41 : memref<!tpu.dma_semaphore, #tpu.memory_space<semaphore_mem>>) src(%dma_wait3A_63 : memref<128x128xf32, #tpu.memory_space<vmem>>) dst(%dma_wait3A_59 : memref<128x128xf32, #tpu.memory_space<vmem_shared>>)
      tpu.yield
    }) : () -> ()
    %add3A_12 = arith.constant 128 : i32
    %add3A_13 = arith.addi %mul3A_9, %add3A_12 : i32
    %run_scoped3A_14 = arith.constant 0 : i32
    "tpu.region"() ({
      %run_scoped3A_41 = tpu.sem_alloc : memref<!tpu.dma_semaphore, #tpu.memory_space<semaphore_mem>>
      %dma_start3A = arith.constant 0 : i32
      %dma_start3A_42 = arith.constant 0 : i32
      %dma_start3A_43 = tpu.memref_slice %arg8[%run_scoped3A_14, %dma_start3A, %dma_start3A_42] : memref<1x128x128xf32, #tpu.memory_space<vmem>> -> memref<1x128x128xf32, #tpu.memory_space<vmem>>
      %dma_start3A_44 = tpu.memref_squeeze %dma_start3A_43 : memref<1x128x128xf32, #tpu.memory_space<vmem>> -> memref<128x128xf32, #tpu.memory_space<vmem>>
      %dma_start3A_45 = arith.constant 0 : i32
      %dma_start3A_46 = tpu.memref_slice %arg9[%add3A_13, %dma_start3A_45] : memref<10240x128xf32, #tpu.memory_space<vmem_shared>> -> memref<128x128xf32, #tpu.memory_space<vmem_shared>>
      %dma_start3A_47 = arith.constant 0 : i32
      %dma_start3A_48 = tpu.memref_slice %arg9[%add3A_13, %dma_start3A_47] : memref<10240x128xf32, #tpu.memory_space<vmem_shared>> -> memref<128x128xf32, #tpu.memory_space<vmem_shared>>
      %dma_start3A_49 = arith.constant 0 : i32
      %dma_start3A_50 = arith.constant 0 : i32
      %dma_start3A_51 = tpu.memref_slice %arg8[%run_scoped3A_14, %dma_start3A_49, %dma_start3A_50] : memref<1x128x128xf32, #tpu.memory_space<vmem>> -> memref<1x128x128xf32, #tpu.memory_space<vmem>>
      %dma_start3A_52 = tpu.memref_squeeze %dma_start3A_51 : memref<1x128x128xf32, #tpu.memory_space<vmem>> -> memref<128x128xf32, #tpu.memory_space<vmem>>
      tpu.enqueue_dma source(%dma_start3A_52 : memref<128x128xf32, #tpu.memory_space<vmem>>) target(%dma_start3A_48 : memref<128x128xf32, #tpu.memory_space<vmem_shared>>) target_semaphore(%run_scoped3A_41 : memref<!tpu.dma_semaphore, #tpu.memory_space<semaphore_mem>>)
      %dma_wait3A = arith.constant 0 : i32
      %dma_wait3A_53 = arith.constant 0 : i32
      %dma_wait3A_54 = tpu.memref_slice %arg8[%run_scoped3A_14, %dma_wait3A, %dma_wait3A_53] : memref<1x128x128xf32, #tpu.memory_space<vmem>> -> memref<1x128x128xf32, #tpu.memory_space<vmem>>
      %dma_wait3A_55 = tpu.memref_squeeze %dma_wait3A_54 : memref<1x128x128xf32, #tpu.memory_space<vmem>> -> memref<128x128xf32, #tpu.memory_space<vmem>>
      %dma_wait3A_56 = arith.constant 0 : i32
      %dma_wait3A_57 = tpu.memref_slice %arg9[%add3A_13, %dma_wait3A_56] : memref<10240x128xf32, #tpu.memory_space<vmem_shared>> -> memref<128x128xf32, #tpu.memory_space<vmem_shared>>
      %dma_wait3A_58 = arith.constant 0 : i32
      %dma_wait3A_59 = tpu.memref_slice %arg9[%add3A_13, %dma_wait3A_58] : memref<10240x128xf32, #tpu.memory_space<vmem_shared>> -> memref<128x128xf32, #tpu.memory_space<vmem_shared>>
      %dma_wait3A_60 = arith.constant 0 : i32
      %dma_wait3A_61 = arith.constant 0 : i32
      %dma_wait3A_62 = tpu.memref_slice %arg8[%run_scoped3A_14, %dma_wait3A_60, %dma_wait3A_61] : memref<1x128x128xf32, #tpu.memory_space<vmem>> -> memref<1x128x128xf32, #tpu.memory_space<vmem>>
      %dma_wait3A_63 = tpu.memref_squeeze %dma_wait3A_62 : memref<1x128x128xf32, #tpu.memory_space<vmem>> -> memref<128x128xf32, #tpu.memory_space<vmem>>
      tpu.wait_dma2 semaphore(%run_scoped3A_41 : memref<!tpu.dma_semaphore, #tpu.memory_space<semaphore_mem>>) src(%dma_wait3A_63 : memref<128x128xf32, #tpu.memory_space<vmem>>) dst(%dma_wait3A_59 : memref<128x128xf32, #tpu.memory_space<vmem_shared>>)
      tpu.yield
    }) : () -> ()
    %add3A_15 = arith.constant 256 : i32
    %add3A_16 = arith.addi %mul3A_9, %add3A_15 : i32
    %run_scoped3A_17 = arith.constant 0 : i32
    "tpu.region"() ({
      %run_scoped3A_41 = tpu.sem_alloc : memref<!tpu.dma_semaphore, #tpu.memory_space<semaphore_mem>>
      %dma_start3A = arith.constant 0 : i32
      %dma_start3A_42 = arith.constant 0 : i32
      %dma_start3A_43 = tpu.memref_slice %arg8[%run_scoped3A_17, %dma_start3A, %dma_start3A_42] : memref<1x128x128xf32, #tpu.memory_space<vmem>> -> memref<1x128x128xf32, #tpu.memory_space<vmem>>
      %dma_start3A_44 = tpu.memref_squeeze %dma_start3A_43 : memref<1x128x128xf32, #tpu.memory_space<vmem>> -> memref<128x128xf32, #tpu.memory_space<vmem>>
      %dma_start3A_45 = arith.constant 0 : i32
      %dma_start3A_46 = tpu.memref_slice %arg9[%add3A_16, %dma_start3A_45] : memref<10240x128xf32, #tpu.memory_space<vmem_shared>> -> memref<128x128xf32, #tpu.memory_space<vmem_shared>>
      %dma_start3A_47 = arith.constant 0 : i32
      %dma_start3A_48 = tpu.memref_slice %arg9[%add3A_16, %dma_start3A_47] : memref<10240x128xf32, #tpu.memory_space<vmem_shared>> -> memref<128x128xf32, #tpu.memory_space<vmem_shared>>
      %dma_start3A_49 = arith.constant 0 : i32
      %dma_start3A_50 = arith.constant 0 : i32
      %dma_start3A_51 = tpu.memref_slice %arg8[%run_scoped3A_17, %dma_start3A_49, %dma_start3A_50] : memref<1x128x128xf32, #tpu.memory_space<vmem>> -> memref<1x128x128xf32, #tpu.memory_space<vmem>>
      %dma_start3A_52 = tpu.memref_squeeze %dma_start3A_51 : memref<1x128x128xf32, #tpu.memory_space<vmem>> -> memref<128x128xf32, #tpu.memory_space<vmem>>
      tpu.enqueue_dma source(%dma_start3A_52 : memref<128x128xf32, #tpu.memory_space<vmem>>) target(%dma_start3A_48 : memref<128x128xf32, #tpu.memory_space<vmem_shared>>) target_semaphore(%run_scoped3A_41 : memref<!tpu.dma_semaphore, #tpu.memory_space<semaphore_mem>>)
      %dma_wait3A = arith.constant 0 : i32
      %dma_wait3A_53 = arith.constant 0 : i32
      %dma_wait3A_54 = tpu.memref_slice %arg8[%run_scoped3A_17, %dma_wait3A, %dma_wait3A_53] : memref<1x128x128xf32, #tpu.memory_space<vmem>> -> memref<1x128x128xf32, #tpu.memory_space<vmem>>
      %dma_wait3A_55 = tpu.memref_squeeze %dma_wait3A_54 : memref<1x128x128xf32, #tpu.memory_space<vmem>> -> memref<128x128xf32, #tpu.memory_space<vmem>>
      %dma_wait3A_56 = arith.constant 0 : i32
      %dma_wait3A_57 = tpu.memref_slice %arg9[%add3A_16, %dma_wait3A_56] : memref<10240x128xf32, #tpu.memory_space<vmem_shared>> -> memref<128x128xf32, #tpu.memory_space<vmem_shared>>
      %dma_wait3A_58 = arith.constant 0 : i32
      %dma_wait3A_59 = tpu.memref_slice %arg9[%add3A_16, %dma_wait3A_58] : memref<10240x128xf32, #tpu.memory_space<vmem_shared>> -> memref<128x128xf32, #tpu.memory_space<vmem_shared>>
      %dma_wait3A_60 = arith.constant 0 : i32
      %dma_wait3A_61 = arith.constant 0 : i32
      %dma_wait3A_62 = tpu.memref_slice %arg8[%run_scoped3A_17, %dma_wait3A_60, %dma_wait3A_61] : memref<1x128x128xf32, #tpu.memory_space<vmem>> -> memref<1x128x128xf32, #tpu.memory_space<vmem>>
      %dma_wait3A_63 = tpu.memref_squeeze %dma_wait3A_62 : memref<1x128x128xf32, #tpu.memory_space<vmem>> -> memref<128x128xf32, #tpu.memory_space<vmem>>
      tpu.wait_dma2 semaphore(%run_scoped3A_41 : memref<!tpu.dma_semaphore, #tpu.memory_space<semaphore_mem>>) src(%dma_wait3A_63 : memref<128x128xf32, #tpu.memory_space<vmem>>) dst(%dma_wait3A_59 : memref<128x128xf32, #tpu.memory_space<vmem_shared>>)
      tpu.yield
    }) : () -> ()
    %add3A_18 = arith.constant 384 : i32
    %add3A_19 = arith.addi %mul3A_9, %add3A_18 : i32
    %run_scoped3A_20 = arith.constant 0 : i32
    "tpu.region"() ({
      %run_scoped3A_41 = tpu.sem_alloc : memref<!tpu.dma_semaphore, #tpu.memory_space<semaphore_mem>>
      %dma_start3A = arith.constant 0 : i32
      %dma_start3A_42 = arith.constant 0 : i32
      %dma_start3A_43 = tpu.memref_slice %arg8[%run_scoped3A_20, %dma_start3A, %dma_start3A_42] : memref<1x128x128xf32, #tpu.memory_space<vmem>> -> memref<1x128x128xf32, #tpu.memory_space<vmem>>
      %dma_start3A_44 = tpu.memref_squeeze %dma_start3A_43 : memref<1x128x128xf32, #tpu.memory_space<vmem>> -> memref<128x128xf32, #tpu.memory_space<vmem>>
      %dma_start3A_45 = arith.constant 0 : i32
      %dma_start3A_46 = tpu.memref_slice %arg9[%add3A_19, %dma_start3A_45] : memref<10240x128xf32, #tpu.memory_space<vmem_shared>> -> memref<128x128xf32, #tpu.memory_space<vmem_shared>>
      %dma_start3A_47 = arith.constant 0 : i32
      %dma_start3A_48 = tpu.memref_slice %arg9[%add3A_19, %dma_start3A_47] : memref<10240x128xf32, #tpu.memory_space<vmem_shared>> -> memref<128x128xf32, #tpu.memory_space<vmem_shared>>
      %dma_start3A_49 = arith.constant 0 : i32
      %dma_start3A_50 = arith.constant 0 : i32
      %dma_start3A_51 = tpu.memref_slice %arg8[%run_scoped3A_20, %dma_start3A_49, %dma_start3A_50] : memref<1x128x128xf32, #tpu.memory_space<vmem>> -> memref<1x128x128xf32, #tpu.memory_space<vmem>>
      %dma_start3A_52 = tpu.memref_squeeze %dma_start3A_51 : memref<1x128x128xf32, #tpu.memory_space<vmem>> -> memref<128x128xf32, #tpu.memory_space<vmem>>
      tpu.enqueue_dma source(%dma_start3A_52 : memref<128x128xf32, #tpu.memory_space<vmem>>) target(%dma_start3A_48 : memref<128x128xf32, #tpu.memory_space<vmem_shared>>) target_semaphore(%run_scoped3A_41 : memref<!tpu.dma_semaphore, #tpu.memory_space<semaphore_mem>>)
      %dma_wait3A = arith.constant 0 : i32
      %dma_wait3A_53 = arith.constant 0 : i32
      %dma_wait3A_54 = tpu.memref_slice %arg8[%run_scoped3A_20, %dma_wait3A, %dma_wait3A_53] : memref<1x128x128xf32, #tpu.memory_space<vmem>> -> memref<1x128x128xf32, #tpu.memory_space<vmem>>
      %dma_wait3A_55 = tpu.memref_squeeze %dma_wait3A_54 : memref<1x128x128xf32, #tpu.memory_space<vmem>> -> memref<128x128xf32, #tpu.memory_space<vmem>>
      %dma_wait3A_56 = arith.constant 0 : i32
      %dma_wait3A_57 = tpu.memref_slice %arg9[%add3A_19, %dma_wait3A_56] : memref<10240x128xf32, #tpu.memory_space<vmem_shared>> -> memref<128x128xf32, #tpu.memory_space<vmem_shared>>
      %dma_wait3A_58 = arith.constant 0 : i32
      %dma_wait3A_59 = tpu.memref_slice %arg9[%add3A_19, %dma_wait3A_58] : memref<10240x128xf32, #tpu.memory_space<vmem_shared>> -> memref<128x128xf32, #tpu.memory_space<vmem_shared>>
      %dma_wait3A_60 = arith.constant 0 : i32
      %dma_wait3A_61 = arith.constant 0 : i32
      %dma_wait3A_62 = tpu.memref_slice %arg8[%run_scoped3A_20, %dma_wait3A_60, %dma_wait3A_61] : memref<1x128x128xf32, #tpu.memory_space<vmem>> -> memref<1x128x128xf32, #tpu.memory_space<vmem>>
      %dma_wait3A_63 = tpu.memref_squeeze %dma_wait3A_62 : memref<1x128x128xf32, #tpu.memory_space<vmem>> -> memref<128x128xf32, #tpu.memory_space<vmem>>
      tpu.wait_dma2 semaphore(%run_scoped3A_41 : memref<!tpu.dma_semaphore, #tpu.memory_space<semaphore_mem>>) src(%dma_wait3A_63 : memref<128x128xf32, #tpu.memory_space<vmem>>) dst(%dma_wait3A_59 : memref<128x128xf32, #tpu.memory_space<vmem_shared>>)
      tpu.yield
    }) : () -> ()
    %add3A_21 = arith.constant 512 : i32
    %add3A_22 = arith.addi %mul3A_9, %add3A_21 : i32
    %run_scoped3A_23 = arith.constant 0 : i32
    "tpu.region"() ({
      %run_scoped3A_41 = tpu.sem_alloc : memref<!tpu.dma_semaphore, #tpu.memory_space<semaphore_mem>>
      %dma_start3A = arith.constant 0 : i32
      %dma_start3A_42 = arith.constant 0 : i32
      %dma_start3A_43 = tpu.memref_slice %arg8[%run_scoped3A_23, %dma_start3A, %dma_start3A_42] : memref<1x128x128xf32, #tpu.memory_space<vmem>> -> memref<1x128x128xf32, #tpu.memory_space<vmem>>
      %dma_start3A_44 = tpu.memref_squeeze %dma_start3A_43 : memref<1x128x128xf32, #tpu.memory_space<vmem>> -> memref<128x128xf32, #tpu.memory_space<vmem>>
      %dma_start3A_45 = arith.constant 0 : i32
      %dma_start3A_46 = tpu.memref_slice %arg9[%add3A_22, %dma_start3A_45] : memref<10240x128xf32, #tpu.memory_space<vmem_shared>> -> memref<128x128xf32, #tpu.memory_space<vmem_shared>>
      %dma_start3A_47 = arith.constant 0 : i32
      %dma_start3A_48 = tpu.memref_slice %arg9[%add3A_22, %dma_start3A_47] : memref<10240x128xf32, #tpu.memory_space<vmem_shared>> -> memref<128x128xf32, #tpu.memory_space<vmem_shared>>
      %dma_start3A_49 = arith.constant 0 : i32
      %dma_start3A_50 = arith.constant 0 : i32
      %dma_start3A_51 = tpu.memref_slice %arg8[%run_scoped3A_23, %dma_start3A_49, %dma_start3A_50] : memref<1x128x128xf32, #tpu.memory_space<vmem>> -> memref<1x128x128xf32, #tpu.memory_space<vmem>>
      %dma_start3A_52 = tpu.memref_squeeze %dma_start3A_51 : memref<1x128x128xf32, #tpu.memory_space<vmem>> -> memref<128x128xf32, #tpu.memory_space<vmem>>
      tpu.enqueue_dma source(%dma_start3A_52 : memref<128x128xf32, #tpu.memory_space<vmem>>) target(%dma_start3A_48 : memref<128x128xf32, #tpu.memory_space<vmem_shared>>) target_semaphore(%run_scoped3A_41 : memref<!tpu.dma_semaphore, #tpu.memory_space<semaphore_mem>>)
      %dma_wait3A = arith.constant 0 : i32
      %dma_wait3A_53 = arith.constant 0 : i32
      %dma_wait3A_54 = tpu.memref_slice %arg8[%run_scoped3A_23, %dma_wait3A, %dma_wait3A_53] : memref<1x128x128xf32, #tpu.memory_space<vmem>> -> memref<1x128x128xf32, #tpu.memory_space<vmem>>
      %dma_wait3A_55 = tpu.memref_squeeze %dma_wait3A_54 : memref<1x128x128xf32, #tpu.memory_space<vmem>> -> memref<128x128xf32, #tpu.memory_space<vmem>>
      %dma_wait3A_56 = arith.constant 0 : i32
      %dma_wait3A_57 = tpu.memref_slice %arg9[%add3A_22, %dma_wait3A_56] : memref<10240x128xf32, #tpu.memory_space<vmem_shared>> -> memref<128x128xf32, #tpu.memory_space<vmem_shared>>
      %dma_wait3A_58 = arith.constant 0 : i32
      %dma_wait3A_59 = tpu.memref_slice %arg9[%add3A_22, %dma_wait3A_58] : memref<10240x128xf32, #tpu.memory_space<vmem_shared>> -> memref<128x128xf32, #tpu.memory_space<vmem_shared>>
      %dma_wait3A_60 = arith.constant 0 : i32
      %dma_wait3A_61 = arith.constant 0 : i32
      %dma_wait3A_62 = tpu.memref_slice %arg8[%run_scoped3A_23, %dma_wait3A_60, %dma_wait3A_61] : memref<1x128x128xf32, #tpu.memory_space<vmem>> -> memref<1x128x128xf32, #tpu.memory_space<vmem>>
      %dma_wait3A_63 = tpu.memref_squeeze %dma_wait3A_62 : memref<1x128x128xf32, #tpu.memory_space<vmem>> -> memref<128x128xf32, #tpu.memory_space<vmem>>
      tpu.wait_dma2 semaphore(%run_scoped3A_41 : memref<!tpu.dma_semaphore, #tpu.memory_space<semaphore_mem>>) src(%dma_wait3A_63 : memref<128x128xf32, #tpu.memory_space<vmem>>) dst(%dma_wait3A_59 : memref<128x128xf32, #tpu.memory_space<vmem_shared>>)
      tpu.yield
    }) : () -> ()
    "tpu.region"() ({
      %run_scoped3A_41 = tpu.sem_alloc : memref<!tpu.dma_semaphore, #tpu.memory_space<semaphore_mem>>
      %dma_start3A = arith.constant 0 : i32
      %dma_start3A_42 = arith.constant 0 : i32
      %dma_start3A_43 = tpu.memref_slice %arg3[%add3A, %dma_start3A, %dma_start3A_42] : memref<32x92x128xi32, #tpu.memory_space<hbm>> -> memref<1x92x128xi32, #tpu.memory_space<hbm>>
      %dma_start3A_44 = tpu.memref_squeeze %dma_start3A_43 : memref<1x92x128xi32, #tpu.memory_space<hbm>> -> memref<92x128xi32, #tpu.memory_space<hbm>>
      %dma_start3A_45 = arith.constant 0 : i32
      %dma_start3A_46 = arith.constant 0 : i32
      %dma_start3A_47 = tpu.memref_slice %arg3[%add3A, %dma_start3A_45, %dma_start3A_46] : memref<32x92x128xi32, #tpu.memory_space<hbm>> -> memref<1x92x128xi32, #tpu.memory_space<hbm>>
      %dma_start3A_48 = tpu.memref_squeeze %dma_start3A_47 : memref<1x92x128xi32, #tpu.memory_space<hbm>> -> memref<92x128xi32, #tpu.memory_space<hbm>>
      tpu.enqueue_dma source(%dma_start3A_48 : memref<92x128xi32, #tpu.memory_space<hbm>>) target(%arg6 : memref<92x128xi32, #tpu.memory_space<vmem>>) target_semaphore(%run_scoped3A_41 : memref<!tpu.dma_semaphore, #tpu.memory_space<semaphore_mem>>)
      %dma_wait3A = arith.constant 0 : i32
      %dma_wait3A_49 = arith.constant 0 : i32
      %dma_wait3A_50 = tpu.memref_slice %arg3[%add3A, %dma_wait3A, %dma_wait3A_49] : memref<32x92x128xi32, #tpu.memory_space<hbm>> -> memref<1x92x128xi32, #tpu.memory_space<hbm>>
      %dma_wait3A_51 = tpu.memref_squeeze %dma_wait3A_50 : memref<1x92x128xi32, #tpu.memory_space<hbm>> -> memref<92x128xi32, #tpu.memory_space<hbm>>
      %dma_wait3A_52 = arith.constant 0 : i32
      %dma_wait3A_53 = arith.constant 0 : i32
      %dma_wait3A_54 = tpu.memref_slice %arg3[%add3A, %dma_wait3A_52, %dma_wait3A_53] : memref<32x92x128xi32, #tpu.memory_space<hbm>> -> memref<1x92x128xi32, #tpu.memory_space<hbm>>
      %dma_wait3A_55 = tpu.memref_squeeze %dma_wait3A_54 : memref<1x92x128xi32, #tpu.memory_space<hbm>> -> memref<92x128xi32, #tpu.memory_space<hbm>>
      tpu.wait_dma2 semaphore(%run_scoped3A_41 : memref<!tpu.dma_semaphore, #tpu.memory_space<semaphore_mem>>) src(%dma_wait3A_55 : memref<92x128xi32, #tpu.memory_space<hbm>>) dst(%arg6 : memref<92x128xi32, #tpu.memory_space<vmem>>)
      tpu.yield
    }) : () -> ()
    "tpu.region"() ({
      %run_scoped3A_41 = tpu.sem_alloc : memref<!tpu.dma_semaphore, #tpu.memory_space<semaphore_mem>>
      %dma_start3A = arith.constant 0 : i32
      %dma_start3A_42 = arith.constant 0 : i32
      %dma_start3A_43 = tpu.memref_slice %arg4[%add3A, %dma_start3A, %dma_start3A_42] : memref<32x92x128xi32, #tpu.memory_space<hbm>> -> memref<1x92x128xi32, #tpu.memory_space<hbm>>
      %dma_start3A_44 = tpu.memref_squeeze %dma_start3A_43 : memref<1x92x128xi32, #tpu.memory_space<hbm>> -> memref<92x128xi32, #tpu.memory_space<hbm>>
      %dma_start3A_45 = arith.constant 0 : i32
      %dma_start3A_46 = arith.constant 0 : i32
      %dma_start3A_47 = tpu.memref_slice %arg4[%add3A, %dma_start3A_45, %dma_start3A_46] : memref<32x92x128xi32, #tpu.memory_space<hbm>> -> memref<1x92x128xi32, #tpu.memory_space<hbm>>
      %dma_start3A_48 = tpu.memref_squeeze %dma_start3A_47 : memref<1x92x128xi32, #tpu.memory_space<hbm>> -> memref<92x128xi32, #tpu.memory_space<hbm>>
      tpu.enqueue_dma source(%dma_start3A_48 : memref<92x128xi32, #tpu.memory_space<hbm>>) target(%arg7 : memref<92x128xi32, #tpu.memory_space<vmem>>) target_semaphore(%run_scoped3A_41 : memref<!tpu.dma_semaphore, #tpu.memory_space<semaphore_mem>>)
      %dma_wait3A = arith.constant 0 : i32
      %dma_wait3A_49 = arith.constant 0 : i32
      %dma_wait3A_50 = tpu.memref_slice %arg4[%add3A, %dma_wait3A, %dma_wait3A_49] : memref<32x92x128xi32, #tpu.memory_space<hbm>> -> memref<1x92x128xi32, #tpu.memory_space<hbm>>
      %dma_wait3A_51 = tpu.memref_squeeze %dma_wait3A_50 : memref<1x92x128xi32, #tpu.memory_space<hbm>> -> memref<92x128xi32, #tpu.memory_space<hbm>>
      %dma_wait3A_52 = arith.constant 0 : i32
      %dma_wait3A_53 = arith.constant 0 : i32
      %dma_wait3A_54 = tpu.memref_slice %arg4[%add3A, %dma_wait3A_52, %dma_wait3A_53] : memref<32x92x128xi32, #tpu.memory_space<hbm>> -> memref<1x92x128xi32, #tpu.memory_space<hbm>>
      %dma_wait3A_55 = tpu.memref_squeeze %dma_wait3A_54 : memref<1x92x128xi32, #tpu.memory_space<hbm>> -> memref<92x128xi32, #tpu.memory_space<hbm>>
      tpu.wait_dma2 semaphore(%run_scoped3A_41 : memref<!tpu.dma_semaphore, #tpu.memory_space<semaphore_mem>>) src(%dma_wait3A_55 : memref<92x128xi32, #tpu.memory_space<hbm>>) dst(%arg7 : memref<92x128xi32, #tpu.memory_space<vmem>>)
      tpu.yield
    }) : () -> ()
    %barrier3A = arith.constant 0 : index
    tpu.barrier barrier_id(%barrier3A)
    %sub3A = arith.constant 0 : i32
    %sub3A_24 = arith.subi %select_n3A, %sub3A : i32
    %sub3A_25 = arith.constant 1 : i32
    %sub3A_26 = arith.constant 1 : i32
    %sub3A_27 = arith.subi %sub3A_25, %sub3A_26 : i32
    %add3A_28 = arith.addi %sub3A_24, %sub3A_27 : i32
    %div3A = arith.constant 1 : i32
    %div3A_29 = arith.divsi %add3A_28, %div3A : i32
    %while3A = arith.constant 1 : i32
    %while3A_30 = arith.constant 0 : i32
    %while3A_31 = arith.constant 0 : i32
    %while3A_32 = arith.subi %div3A_29, %while3A_31 : i32
    %while3A_33 = arith.addi %while3A_31, %while3A_32 : i32
    %while3A_34 = arith.constant 1 : i32
    %while3A_35 = arith.divsi %while3A_32, %while3A_34 : i32
    %while3A_36 = arith.muli %while3A_35, %while3A_34 : i32
    %while3A_37 = arith.addi %while3A_31, %while3A_36 : i32
    %while3A_38 = arith.constant 1 : i32
    scf.for %while3A_41 = %while3A_31 to %while3A_37 step %while3A_38  : i32 {
      %mul3A_42 = arith.muli %while3A_41, %while3A : i32
      %add3A_43 = arith.addi %while3A_30, %mul3A_42 : i32
      %dma_start3A = arith.constant 0 : i32
      %dma_start3A_44 = arith.constant 0 : i32
      %dma_start3A_45 = arith.constant 0 : i32
      %dma_start3A_46 = tpu.memref_slice %arg8[%dma_start3A, %dma_start3A_44, %dma_start3A_45] : memref<1x128x128xf32, #tpu.memory_space<vmem>> -> memref<1x128x128xf32, #tpu.memory_space<vmem>>
      %dma_start3A_47 = tpu.memref_squeeze %dma_start3A_46 : memref<1x128x128xf32, #tpu.memory_space<vmem>> -> memref<128x128xf32, #tpu.memory_space<vmem>>
      %dma_start3A_48 = arith.constant 0 : i32
      %dma_start3A_49 = tpu.memref_slice %arg6[%add3A_43, %dma_start3A_48] : memref<92x128xi32, #tpu.memory_space<vmem>> -> memref<1x128xi32, #tpu.memory_space<vmem>>
      %dma_start3A_50 = tpu.memref_squeeze %dma_start3A_49 : memref<1x128xi32, #tpu.memory_space<vmem>> -> memref<128xi32, #tpu.memory_space<vmem>>
      %dma_start3A_51 = arith.constant 0 : i32
      %dma_start3A_52 = arith.constant 0 : i32
      %dma_start3A_53 = tpu.memref_slice %arg2[%dma_start3A_51, %dma_start3A_52] : memref<10240x128xf32, #tpu.memory_space<hbm>> -> memref<10240x128xf32, #tpu.memory_space<hbm>>
      tpu.enqueue_indirect_dma source(%dma_start3A_53 : memref<10240x128xf32, #tpu.memory_space<hbm>>) target(%dma_start3A_47 : memref<128x128xf32, #tpu.memory_space<vmem>>) offsets(%dma_start3A_50 : memref<128xi32, #tpu.memory_space<vmem>>) semaphore(%arg10 : memref<!tpu.dma_semaphore, #tpu.memory_space<semaphore_mem>>)
      %dma_wait3A = arith.constant 0 : i32
      %dma_wait3A_54 = arith.constant 0 : i32
      %dma_wait3A_55 = arith.constant 0 : i32
      %dma_wait3A_56 = tpu.memref_slice %arg8[%dma_wait3A, %dma_wait3A_54, %dma_wait3A_55] : memref<1x128x128xf32, #tpu.memory_space<vmem>> -> memref<1x128x128xf32, #tpu.memory_space<vmem>>
      %dma_wait3A_57 = tpu.memref_squeeze %dma_wait3A_56 : memref<1x128x128xf32, #tpu.memory_space<vmem>> -> memref<128x128xf32, #tpu.memory_space<vmem>>
      %dma_wait3A_58 = arith.constant 0 : i32
      %dma_wait3A_59 = tpu.memref_slice %arg6[%add3A_43, %dma_wait3A_58] : memref<92x128xi32, #tpu.memory_space<vmem>> -> memref<1x128xi32, #tpu.memory_space<vmem>>
      %dma_wait3A_60 = tpu.memref_squeeze %dma_wait3A_59 : memref<1x128xi32, #tpu.memory_space<vmem>> -> memref<128xi32, #tpu.memory_space<vmem>>
      %dma_wait3A_61 = arith.constant 0 : i32
      %dma_wait3A_62 = arith.constant 0 : i32
      %dma_wait3A_63 = tpu.memref_slice %arg2[%dma_wait3A_61, %dma_wait3A_62] : memref<10240x128xf32, #tpu.memory_space<hbm>> -> memref<10240x128xf32, #tpu.memory_space<hbm>>
      tpu.wait_indirect_dma semaphore(%arg10 : memref<!tpu.dma_semaphore, #tpu.memory_space<semaphore_mem>>) src(%dma_wait3A_63 : memref<10240x128xf32, #tpu.memory_space<hbm>>) dst(%dma_wait3A_57 : memref<128x128xf32, #tpu.memory_space<vmem>>)
      %run_scoped3A_64 = arith.constant 0 : i32
      "tpu.region"() ({
        %run_scoped3A_65 = tpu.sem_alloc : memref<!tpu.dma_semaphore, #tpu.memory_space<semaphore_mem>>
        %dma_start3A_66 = arith.constant 0 : i32
        %dma_start3A_67 = arith.constant 0 : i32
        %dma_start3A_68 = tpu.memref_slice %arg8[%run_scoped3A_64, %dma_start3A_66, %dma_start3A_67] : memref<1x128x128xf32, #tpu.memory_space<vmem>> -> memref<1x128x128xf32, #tpu.memory_space<vmem>>
        %dma_start3A_69 = tpu.memref_squeeze %dma_start3A_68 : memref<1x128x128xf32, #tpu.memory_space<vmem>> -> memref<128x128xf32, #tpu.memory_space<vmem>>
        %dma_start3A_70 = arith.constant 0 : i32
        %dma_start3A_71 = tpu.memref_slice %arg7[%add3A_43, %dma_start3A_70] : memref<92x128xi32, #tpu.memory_space<vmem>> -> memref<1x128xi32, #tpu.memory_space<vmem>>
        %dma_start3A_72 = tpu.memref_squeeze %dma_start3A_71 : memref<1x128xi32, #tpu.memory_space<vmem>> -> memref<128xi32, #tpu.memory_space<vmem>>
        %dma_start3A_73 = arith.constant 0 : i32
        %dma_start3A_74 = arith.constant 0 : i32
        %dma_start3A_75 = tpu.memref_slice %arg9[%dma_start3A_73, %dma_start3A_74] : memref<10240x128xf32, #tpu.memory_space<vmem_shared>> -> memref<10240x128xf32, #tpu.memory_space<vmem_shared>>
        tpu.enqueue_indirect_dma source(%dma_start3A_69 : memref<128x128xf32, #tpu.memory_space<vmem>>) target(%dma_start3A_75 : memref<10240x128xf32, #tpu.memory_space<vmem_shared>>) offsets(%dma_start3A_72 : memref<128xi32, #tpu.memory_space<vmem>>) semaphore(%run_scoped3A_65 : memref<!tpu.dma_semaphore, #tpu.memory_space<semaphore_mem>>) {add = true}
        %dma_wait3A_76 = arith.constant 0 : i32
        %dma_wait3A_77 = arith.constant 0 : i32
        %dma_wait3A_78 = tpu.memref_slice %arg8[%run_scoped3A_64, %dma_wait3A_76, %dma_wait3A_77] : memref<1x128x128xf32, #tpu.memory_space<vmem>> -> memref<1x128x128xf32, #tpu.memory_space<vmem>>
        %dma_wait3A_79 = tpu.memref_squeeze %dma_wait3A_78 : memref<1x128x128xf32, #tpu.memory_space<vmem>> -> memref<128x128xf32, #tpu.memory_space<vmem>>
        %dma_wait3A_80 = arith.constant 0 : i32
        %dma_wait3A_81 = tpu.memref_slice %arg7[%add3A_43, %dma_wait3A_80] : memref<92x128xi32, #tpu.memory_space<vmem>> -> memref<1x128xi32, #tpu.memory_space<vmem>>
        %dma_wait3A_82 = tpu.memref_squeeze %dma_wait3A_81 : memref<1x128xi32, #tpu.memory_space<vmem>> -> memref<128xi32, #tpu.memory_space<vmem>>
        %dma_wait3A_83 = arith.constant 0 : i32
        %dma_wait3A_84 = arith.constant 0 : i32
        %dma_wait3A_85 = tpu.memref_slice %arg9[%dma_wait3A_83, %dma_wait3A_84] : memref<10240x128xf32, #tpu.memory_space<vmem_shared>> -> memref<10240x128xf32, #tpu.memory_space<vmem_shared>>
        tpu.wait_indirect_dma semaphore(%run_scoped3A_65 : memref<!tpu.dma_semaphore, #tpu.memory_space<semaphore_mem>>) src(%dma_wait3A_79 : memref<128x128xf32, #tpu.memory_space<vmem>>) dst(%dma_wait3A_85 : memref<10240x128xf32, #tpu.memory_space<vmem_shared>>)
        tpu.yield
      }) : () -> ()
    }
    %while3A_39 = arith.constant 1 : i32
    scf.for %while3A_41 = %while3A_37 to %while3A_33 step %while3A_39  : i32 {
      %mul3A_42 = arith.muli %while3A_41, %while3A : i32
      %add3A_43 = arith.addi %while3A_30, %mul3A_42 : i32
      %dma_start3A = arith.constant 0 : i32
      %dma_start3A_44 = arith.constant 0 : i32
      %dma_start3A_45 = arith.constant 0 : i32
      %dma_start3A_46 = tpu.memref_slice %arg8[%dma_start3A, %dma_start3A_44, %dma_start3A_45] : memref<1x128x128xf32, #tpu.memory_space<vmem>> -> memref<1x128x128xf32, #tpu.memory_space<vmem>>
      %dma_start3A_47 = tpu.memref_squeeze %dma_start3A_46 : memref<1x128x128xf32, #tpu.memory_space<vmem>> -> memref<128x128xf32, #tpu.memory_space<vmem>>
      %dma_start3A_48 = arith.constant 0 : i32
      %dma_start3A_49 = tpu.memref_slice %arg6[%add3A_43, %dma_start3A_48] : memref<92x128xi32, #tpu.memory_space<vmem>> -> memref<1x128xi32, #tpu.memory_space<vmem>>
      %dma_start3A_50 = tpu.memref_squeeze %dma_start3A_49 : memref<1x128xi32, #tpu.memory_space<vmem>> -> memref<128xi32, #tpu.memory_space<vmem>>
      %dma_start3A_51 = arith.constant 0 : i32
      %dma_start3A_52 = arith.constant 0 : i32
      %dma_start3A_53 = tpu.memref_slice %arg2[%dma_start3A_51, %dma_start3A_52] : memref<10240x128xf32, #tpu.memory_space<hbm>> -> memref<10240x128xf32, #tpu.memory_space<hbm>>
      tpu.enqueue_indirect_dma source(%dma_start3A_53 : memref<10240x128xf32, #tpu.memory_space<hbm>>) target(%dma_start3A_47 : memref<128x128xf32, #tpu.memory_space<vmem>>) offsets(%dma_start3A_50 : memref<128xi32, #tpu.memory_space<vmem>>) semaphore(%arg10 : memref<!tpu.dma_semaphore, #tpu.memory_space<semaphore_mem>>)
      %dma_wait3A = arith.constant 0 : i32
      %dma_wait3A_54 = arith.constant 0 : i32
      %dma_wait3A_55 = arith.constant 0 : i32
      %dma_wait3A_56 = tpu.memref_slice %arg8[%dma_wait3A, %dma_wait3A_54, %dma_wait3A_55] : memref<1x128x128xf32, #tpu.memory_space<vmem>> -> memref<1x128x128xf32, #tpu.memory_space<vmem>>
      %dma_wait3A_57 = tpu.memref_squeeze %dma_wait3A_56 : memref<1x128x128xf32, #tpu.memory_space<vmem>> -> memref<128x128xf32, #tpu.memory_space<vmem>>
      %dma_wait3A_58 = arith.constant 0 : i32
      %dma_wait3A_59 = tpu.memref_slice %arg6[%add3A_43, %dma_wait3A_58] : memref<92x128xi32, #tpu.memory_space<vmem>> -> memref<1x128xi32, #tpu.memory_space<vmem>>
      %dma_wait3A_60 = tpu.memref_squeeze %dma_wait3A_59 : memref<1x128xi32, #tpu.memory_space<vmem>> -> memref<128xi32, #tpu.memory_space<vmem>>
      %dma_wait3A_61 = arith.constant 0 : i32
      %dma_wait3A_62 = arith.constant 0 : i32
      %dma_wait3A_63 = tpu.memref_slice %arg2[%dma_wait3A_61, %dma_wait3A_62] : memref<10240x128xf32, #tpu.memory_space<hbm>> -> memref<10240x128xf32, #tpu.memory_space<hbm>>
      tpu.wait_indirect_dma semaphore(%arg10 : memref<!tpu.dma_semaphore, #tpu.memory_space<semaphore_mem>>) src(%dma_wait3A_63 : memref<10240x128xf32, #tpu.memory_space<hbm>>) dst(%dma_wait3A_57 : memref<128x128xf32, #tpu.memory_space<vmem>>)
      %run_scoped3A_64 = arith.constant 0 : i32
      "tpu.region"() ({
        %run_scoped3A_65 = tpu.sem_alloc : memref<!tpu.dma_semaphore, #tpu.memory_space<semaphore_mem>>
        %dma_start3A_66 = arith.constant 0 : i32
        %dma_start3A_67 = arith.constant 0 : i32
        %dma_start3A_68 = tpu.memref_slice %arg8[%run_scoped3A_64, %dma_start3A_66, %dma_start3A_67] : memref<1x128x128xf32, #tpu.memory_space<vmem>> -> memref<1x128x128xf32, #tpu.memory_space<vmem>>
        %dma_start3A_69 = tpu.memref_squeeze %dma_start3A_68 : memref<1x128x128xf32, #tpu.memory_space<vmem>> -> memref<128x128xf32, #tpu.memory_space<vmem>>
        %dma_start3A_70 = arith.constant 0 : i32
        %dma_start3A_71 = tpu.memref_slice %arg7[%add3A_43, %dma_start3A_70] : memref<92x128xi32, #tpu.memory_space<vmem>> -> memref<1x128xi32, #tpu.memory_space<vmem>>
        %dma_start3A_72 = tpu.memref_squeeze %dma_start3A_71 : memref<1x128xi32, #tpu.memory_space<vmem>> -> memref<128xi32, #tpu.memory_space<vmem>>
        %dma_start3A_73 = arith.constant 0 : i32
        %dma_start3A_74 = arith.constant 0 : i32
        %dma_start3A_75 = tpu.memref_slice %arg9[%dma_start3A_73, %dma_start3A_74] : memref<10240x128xf32, #tpu.memory_space<vmem_shared>> -> memref<10240x128xf32, #tpu.memory_space<vmem_shared>>
        tpu.enqueue_indirect_dma source(%dma_start3A_69 : memref<128x128xf32, #tpu.memory_space<vmem>>) target(%dma_start3A_75 : memref<10240x128xf32, #tpu.memory_space<vmem_shared>>) offsets(%dma_start3A_72 : memref<128xi32, #tpu.memory_space<vmem>>) semaphore(%run_scoped3A_65 : memref<!tpu.dma_semaphore, #tpu.memory_space<semaphore_mem>>) {add = true}
        %dma_wait3A_76 = arith.constant 0 : i32
        %dma_wait3A_77 = arith.constant 0 : i32
        %dma_wait3A_78 = tpu.memref_slice %arg8[%run_scoped3A_64, %dma_wait3A_76, %dma_wait3A_77] : memref<1x128x128xf32, #tpu.memory_space<vmem>> -> memref<1x128x128xf32, #tpu.memory_space<vmem>>
        %dma_wait3A_79 = tpu.memref_squeeze %dma_wait3A_78 : memref<1x128x128xf32, #tpu.memory_space<vmem>> -> memref<128x128xf32, #tpu.memory_space<vmem>>
        %dma_wait3A_80 = arith.constant 0 : i32
        %dma_wait3A_81 = tpu.memref_slice %arg7[%add3A_43, %dma_wait3A_80] : memref<92x128xi32, #tpu.memory_space<vmem>> -> memref<1x128xi32, #tpu.memory_space<vmem>>
        %dma_wait3A_82 = tpu.memref_squeeze %dma_wait3A_81 : memref<1x128xi32, #tpu.memory_space<vmem>> -> memref<128xi32, #tpu.memory_space<vmem>>
        %dma_wait3A_83 = arith.constant 0 : i32
        %dma_wait3A_84 = arith.constant 0 : i32
        %dma_wait3A_85 = tpu.memref_slice %arg9[%dma_wait3A_83, %dma_wait3A_84] : memref<10240x128xf32, #tpu.memory_space<vmem_shared>> -> memref<10240x128xf32, #tpu.memory_space<vmem_shared>>
        tpu.wait_indirect_dma semaphore(%run_scoped3A_65 : memref<!tpu.dma_semaphore, #tpu.memory_space<semaphore_mem>>) src(%dma_wait3A_79 : memref<128x128xf32, #tpu.memory_space<vmem>>) dst(%dma_wait3A_85 : memref<10240x128xf32, #tpu.memory_space<vmem_shared>>)
        tpu.yield
      }) : () -> ()
    }
    %barrier3A_40 = arith.constant 0 : index
    tpu.barrier barrier_id(%barrier3A_40)
    "tpu.region"() ({
      %run_scoped3A_41 = tpu.sem_alloc : memref<!tpu.dma_semaphore, #tpu.memory_space<semaphore_mem>>
      %dma_start3A = arith.constant 0 : i32
      %dma_start3A_42 = tpu.memref_slice %arg5[%arg0, %mul3A_9, %dma_start3A] : memref<2x10240x128xf32, #tpu.memory_space<hbm>> -> memref<1x640x128xf32, #tpu.memory_space<hbm>>
      %dma_start3A_43 = tpu.memref_squeeze %dma_start3A_42 : memref<1x640x128xf32, #tpu.memory_space<hbm>> -> memref<640x128xf32, #tpu.memory_space<hbm>>
      %dma_start3A_44 = arith.constant 0 : i32
      %dma_start3A_45 = tpu.memref_slice %arg9[%mul3A_9, %dma_start3A_44] : memref<10240x128xf32, #tpu.memory_space<vmem_shared>> -> memref<640x128xf32, #tpu.memory_space<vmem_shared>>
      tpu.enqueue_dma source(%dma_start3A_45 : memref<640x128xf32, #tpu.memory_space<vmem_shared>>) target(%dma_start3A_43 : memref<640x128xf32, #tpu.memory_space<hbm>>) target_semaphore(%run_scoped3A_41 : memref<!tpu.dma_semaphore, #tpu.memory_space<semaphore_mem>>)
      %dma_wait3A = arith.constant 0 : i32
      %dma_wait3A_46 = tpu.memref_slice %arg5[%arg0, %mul3A_9, %dma_wait3A] : memref<2x10240x128xf32, #tpu.memory_space<hbm>> -> memref<1x640x128xf32, #tpu.memory_space<hbm>>
      %dma_wait3A_47 = tpu.memref_squeeze %dma_wait3A_46 : memref<1x640x128xf32, #tpu.memory_space<hbm>> -> memref<640x128xf32, #tpu.memory_space<hbm>>
      %dma_wait3A_48 = arith.constant 0 : i32
      %dma_wait3A_49 = tpu.memref_slice %arg9[%mul3A_9, %dma_wait3A_48] : memref<10240x128xf32, #tpu.memory_space<vmem_shared>> -> memref<640x128xf32, #tpu.memory_space<vmem_shared>>
      tpu.wait_dma2 semaphore(%run_scoped3A_41 : memref<!tpu.dma_semaphore, #tpu.memory_space<semaphore_mem>>) src(%dma_wait3A_49 : memref<640x128xf32, #tpu.memory_space<vmem_shared>>) dst(%dma_wait3A_47 : memref<640x128xf32, #tpu.memory_space<hbm>>)
      tpu.yield
    }) : () -> ()
    return
  }
}

#map = affine_map<(d0, d1) -> (0, 0, 0)>
#map1 = affine_map<(d0, d1) -> (0, 0)>
module attributes {stable_mosaic.version = 14 : i64} {
  func.func @_deg_body(%arg0: i32, %arg1: i32, %arg2: memref<32x92x128xi32, #tpu.memory_space<hbm>>, %arg3: memref<32x10240xf32, #tpu.memory_space<hbm>>, %arg4: memref<92x128xi32, #tpu.memory_space<vmem>>, %arg5: memref<10240xf32, #tpu.memory_space<vmem>>) attributes {dimension_semantics = [#tpu.dimension_semantics<core_parallel>, #tpu.dimension_semantics<subcore_parallel>], iteration_bounds = array<i64: 2, 16>, scalar_prefetch = 0 : i64, scratch_operands = 2 : i64, tpu.core_type = #tpu.core_type<sc_vector_subcore>, window_params = [{transform_indices = #map}, {transform_indices = #map1}]} {
    %mul3A = arith.constant 2 : i32
    %mul3A_0 = arith.muli %arg1, %mul3A : i32
    %add3A = arith.addi %mul3A_0, %arg0 : i32
    %eq3A = arith.constant 0 : i32
    %eq3A_1 = arith.cmpi eq, %arg0, %eq3A : i32
    %jit3A = arith.constant 92 : i32
    %jit3A_2 = arith.constant 65 : i32
    %select_n3A = arith.select %eq3A_1, %jit3A, %jit3A_2 : i32
    %broadcast_in_dim3A = arith.constant 0.000000e+00 : f32
    %broadcast_in_dim3A_3 = vector.broadcast %broadcast_in_dim3A : f32 to vector<16xf32>
    %scan3A = arith.constant 0 : i32
    %scan3A_4 = arith.constant 640 : i32
    %scan3A_5 = arith.addi %scan3A, %scan3A_4 : i32
    %scan3A_6 = arith.constant 1 : i32
    scf.for %scan3A_26 = %scan3A to %scan3A_5 step %scan3A_6  : i32 {
      %mul3A_27 = arith.constant 1 : i32
      %mul3A_28 = arith.muli %scan3A_26, %mul3A_27 : i32
      %add3A_29 = arith.constant 0 : i32
      %add3A_30 = arith.addi %add3A_29, %mul3A_28 : i32
      %mul3A_31 = arith.constant 16 : i32
      %mul3A_32 = arith.muli %add3A_30, %mul3A_31 : i32
      %swap3A = arith.index_cast %mul3A_32 : i32 to index
      %swap3A_33 = tpu.vector_load %arg5[%swap3A] {strides = array<i32>} : memref<10240xf32, #tpu.memory_space<vmem>>, vector<16xf32>,
      tpu.vector_store %arg5[%swap3A], %broadcast_in_dim3A_3 {strides = array<i32>} : memref<10240xf32, #tpu.memory_space<vmem>>, vector<16xf32>,
    }
    %scan3A_7 = arith.constant 640 : i32
    "tpu.region"() ({
      %run_scoped3A = tpu.sem_alloc : memref<!tpu.dma_semaphore, #tpu.memory_space<semaphore_mem>>
      %dma_start3A = arith.constant 0 : i32
      %dma_start3A_26 = arith.constant 0 : i32
      %dma_start3A_27 = tpu.memref_slice %arg2[%add3A, %dma_start3A, %dma_start3A_26] : memref<32x92x128xi32, #tpu.memory_space<hbm>> -> memref<1x92x128xi32, #tpu.memory_space<hbm>>
      %dma_start3A_28 = tpu.memref_squeeze %dma_start3A_27 : memref<1x92x128xi32, #tpu.memory_space<hbm>> -> memref<92x128xi32, #tpu.memory_space<hbm>>
      %dma_start3A_29 = arith.constant 0 : i32
      %dma_start3A_30 = arith.constant 0 : i32
      %dma_start3A_31 = tpu.memref_slice %arg2[%add3A, %dma_start3A_29, %dma_start3A_30] : memref<32x92x128xi32, #tpu.memory_space<hbm>> -> memref<1x92x128xi32, #tpu.memory_space<hbm>>
      %dma_start3A_32 = tpu.memref_squeeze %dma_start3A_31 : memref<1x92x128xi32, #tpu.memory_space<hbm>> -> memref<92x128xi32, #tpu.memory_space<hbm>>
      tpu.enqueue_dma source(%dma_start3A_32 : memref<92x128xi32, #tpu.memory_space<hbm>>) target(%arg4 : memref<92x128xi32, #tpu.memory_space<vmem>>) target_semaphore(%run_scoped3A : memref<!tpu.dma_semaphore, #tpu.memory_space<semaphore_mem>>)
      %dma_wait3A = arith.constant 0 : i32
      %dma_wait3A_33 = arith.constant 0 : i32
      %dma_wait3A_34 = tpu.memref_slice %arg2[%add3A, %dma_wait3A, %dma_wait3A_33] : memref<32x92x128xi32, #tpu.memory_space<hbm>> -> memref<1x92x128xi32, #tpu.memory_space<hbm>>
      %dma_wait3A_35 = tpu.memref_squeeze %dma_wait3A_34 : memref<1x92x128xi32, #tpu.memory_space<hbm>> -> memref<92x128xi32, #tpu.memory_space<hbm>>
      %dma_wait3A_36 = arith.constant 0 : i32
      %dma_wait3A_37 = arith.constant 0 : i32
      %dma_wait3A_38 = tpu.memref_slice %arg2[%add3A, %dma_wait3A_36, %dma_wait3A_37] : memref<32x92x128xi32, #tpu.memory_space<hbm>> -> memref<1x92x128xi32, #tpu.memory_space<hbm>>
      %dma_wait3A_39 = tpu.memref_squeeze %dma_wait3A_38 : memref<1x92x128xi32, #tpu.memory_space<hbm>> -> memref<92x128xi32, #tpu.memory_space<hbm>>
      tpu.wait_dma2 semaphore(%run_scoped3A : memref<!tpu.dma_semaphore, #tpu.memory_space<semaphore_mem>>) src(%dma_wait3A_39 : memref<92x128xi32, #tpu.memory_space<hbm>>) dst(%arg4 : memref<92x128xi32, #tpu.memory_space<vmem>>)
      tpu.yield
    }) : () -> ()
    %broadcast_in_dim3A_8 = arith.constant 1.000000e+00 : f32
    %broadcast_in_dim3A_9 = vector.broadcast %broadcast_in_dim3A_8 : f32 to vector<16xf32>
    %sub3A = arith.constant 0 : i32
    %sub3A_10 = arith.subi %select_n3A, %sub3A : i32
    %sub3A_11 = arith.constant 1 : i32
    %sub3A_12 = arith.constant 1 : i32
    %sub3A_13 = arith.subi %sub3A_11, %sub3A_12 : i32
    %add3A_14 = arith.addi %sub3A_10, %sub3A_13 : i32
    %div3A = arith.constant 1 : i32
    %div3A_15 = arith.divsi %add3A_14, %div3A : i32
    %while3A = arith.constant 1 : i32
    %while3A_16 = arith.constant 0 : i32
    %while3A_17 = arith.constant 0 : i32
    %while3A_18 = arith.subi %div3A_15, %while3A_17 : i32
    %while3A_19 = arith.addi %while3A_17, %while3A_18 : i32
    %while3A_20 = arith.constant 1 : i32
    %while3A_21 = arith.divsi %while3A_18, %while3A_20 : i32
    %while3A_22 = arith.muli %while3A_21, %while3A_20 : i32
    %while3A_23 = arith.addi %while3A_17, %while3A_22 : i32
    %while3A_24 = arith.constant 1 : i32
    scf.for %while3A_26 = %while3A_17 to %while3A_23 step %while3A_24  : i32 {
      %mul3A_27 = arith.muli %while3A_26, %while3A : i32
      %add3A_28 = arith.addi %while3A_16, %mul3A_27 : i32
      %get3A = arith.index_cast %add3A_28 : i32 to index
      %get3A_29 = arith.constant 0 : index
      %get3A_30 = tpu.vector_load %arg4[%get3A, %get3A_29] {strides = array<i32>} : memref<92x128xi32, #tpu.memory_space<vmem>>, vector<16xi32>,
      tpu.vector_store_idx %arg5[%get3A_30], %broadcast_in_dim3A_9 {add = true} : memref<10240xf32, #tpu.memory_space<vmem>>[vector<16xi32>], vector<16xf32>,
      %get3A_31 = arith.index_cast %add3A_28 : i32 to index
      %get3A_32 = arith.constant 16 : index
      %get3A_33 = tpu.vector_load %arg4[%get3A_31, %get3A_32] {strides = array<i32>} : memref<92x128xi32, #tpu.memory_space<vmem>>, vector<16xi32>,
      tpu.vector_store_idx %arg5[%get3A_33], %broadcast_in_dim3A_9 {add = true} : memref<10240xf32, #tpu.memory_space<vmem>>[vector<16xi32>], vector<16xf32>,
      %get3A_34 = arith.index_cast %add3A_28 : i32 to index
      %get3A_35 = arith.constant 32 : index
      %get3A_36 = tpu.vector_load %arg4[%get3A_34, %get3A_35] {strides = array<i32>} : memref<92x128xi32, #tpu.memory_space<vmem>>, vector<16xi32>,
      tpu.vector_store_idx %arg5[%get3A_36], %broadcast_in_dim3A_9 {add = true} : memref<10240xf32, #tpu.memory_space<vmem>>[vector<16xi32>], vector<16xf32>,
      %get3A_37 = arith.index_cast %add3A_28 : i32 to index
      %get3A_38 = arith.constant 48 : index
      %get3A_39 = tpu.vector_load %arg4[%get3A_37, %get3A_38] {strides = array<i32>} : memref<92x128xi32, #tpu.memory_space<vmem>>, vector<16xi32>,
      tpu.vector_store_idx %arg5[%get3A_39], %broadcast_in_dim3A_9 {add = true} : memref<10240xf32, #tpu.memory_space<vmem>>[vector<16xi32>], vector<16xf32>,
      %get3A_40 = arith.index_cast %add3A_28 : i32 to index
      %get3A_41 = arith.constant 64 : index
      %get3A_42 = tpu.vector_load %arg4[%get3A_40, %get3A_41] {strides = array<i32>} : memref<92x128xi32, #tpu.memory_space<vmem>>, vector<16xi32>,
      tpu.vector_store_idx %arg5[%get3A_42], %broadcast_in_dim3A_9 {add = true} : memref<10240xf32, #tpu.memory_space<vmem>>[vector<16xi32>], vector<16xf32>,
      %get3A_43 = arith.index_cast %add3A_28 : i32 to index
      %get3A_44 = arith.constant 80 : index
      %get3A_45 = tpu.vector_load %arg4[%get3A_43, %get3A_44] {strides = array<i32>} : memref<92x128xi32, #tpu.memory_space<vmem>>, vector<16xi32>,
      tpu.vector_store_idx %arg5[%get3A_45], %broadcast_in_dim3A_9 {add = true} : memref<10240xf32, #tpu.memory_space<vmem>>[vector<16xi32>], vector<16xf32>,
      %get3A_46 = arith.index_cast %add3A_28 : i32 to index
      %get3A_47 = arith.constant 96 : index
      %get3A_48 = tpu.vector_load %arg4[%get3A_46, %get3A_47] {strides = array<i32>} : memref<92x128xi32, #tpu.memory_space<vmem>>, vector<16xi32>,
      tpu.vector_store_idx %arg5[%get3A_48], %broadcast_in_dim3A_9 {add = true} : memref<10240xf32, #tpu.memory_space<vmem>>[vector<16xi32>], vector<16xf32>,
      %get3A_49 = arith.index_cast %add3A_28 : i32 to index
      %get3A_50 = arith.constant 112 : index
      %get3A_51 = tpu.vector_load %arg4[%get3A_49, %get3A_50] {strides = array<i32>} : memref<92x128xi32, #tpu.memory_space<vmem>>, vector<16xi32>,
      tpu.vector_store_idx %arg5[%get3A_51], %broadcast_in_dim3A_9 {add = true} : memref<10240xf32, #tpu.memory_space<vmem>>[vector<16xi32>], vector<16xf32>,
    }
    %while3A_25 = arith.constant 1 : i32
    scf.for %while3A_26 = %while3A_23 to %while3A_19 step %while3A_25  : i32 {
      %mul3A_27 = arith.muli %while3A_26, %while3A : i32
      %add3A_28 = arith.addi %while3A_16, %mul3A_27 : i32
      %get3A = arith.index_cast %add3A_28 : i32 to index
      %get3A_29 = arith.constant 0 : index
      %get3A_30 = tpu.vector_load %arg4[%get3A, %get3A_29] {strides = array<i32>} : memref<92x128xi32, #tpu.memory_space<vmem>>, vector<16xi32>,
      tpu.vector_store_idx %arg5[%get3A_30], %broadcast_in_dim3A_9 {add = true} : memref<10240xf32, #tpu.memory_space<vmem>>[vector<16xi32>], vector<16xf32>,
      %get3A_31 = arith.index_cast %add3A_28 : i32 to index
      %get3A_32 = arith.constant 16 : index
      %get3A_33 = tpu.vector_load %arg4[%get3A_31, %get3A_32] {strides = array<i32>} : memref<92x128xi32, #tpu.memory_space<vmem>>, vector<16xi32>,
      tpu.vector_store_idx %arg5[%get3A_33], %broadcast_in_dim3A_9 {add = true} : memref<10240xf32, #tpu.memory_space<vmem>>[vector<16xi32>], vector<16xf32>,
      %get3A_34 = arith.index_cast %add3A_28 : i32 to index
      %get3A_35 = arith.constant 32 : index
      %get3A_36 = tpu.vector_load %arg4[%get3A_34, %get3A_35] {strides = array<i32>} : memref<92x128xi32, #tpu.memory_space<vmem>>, vector<16xi32>,
      tpu.vector_store_idx %arg5[%get3A_36], %broadcast_in_dim3A_9 {add = true} : memref<10240xf32, #tpu.memory_space<vmem>>[vector<16xi32>], vector<16xf32>,
      %get3A_37 = arith.index_cast %add3A_28 : i32 to index
      %get3A_38 = arith.constant 48 : index
      %get3A_39 = tpu.vector_load %arg4[%get3A_37, %get3A_38] {strides = array<i32>} : memref<92x128xi32, #tpu.memory_space<vmem>>, vector<16xi32>,
      tpu.vector_store_idx %arg5[%get3A_39], %broadcast_in_dim3A_9 {add = true} : memref<10240xf32, #tpu.memory_space<vmem>>[vector<16xi32>], vector<16xf32>,
      %get3A_40 = arith.index_cast %add3A_28 : i32 to index
      %get3A_41 = arith.constant 64 : index
      %get3A_42 = tpu.vector_load %arg4[%get3A_40, %get3A_41] {strides = array<i32>} : memref<92x128xi32, #tpu.memory_space<vmem>>, vector<16xi32>,
      tpu.vector_store_idx %arg5[%get3A_42], %broadcast_in_dim3A_9 {add = true} : memref<10240xf32, #tpu.memory_space<vmem>>[vector<16xi32>], vector<16xf32>,
      %get3A_43 = arith.index_cast %add3A_28 : i32 to index
      %get3A_44 = arith.constant 80 : index
      %get3A_45 = tpu.vector_load %arg4[%get3A_43, %get3A_44] {strides = array<i32>} : memref<92x128xi32, #tpu.memory_space<vmem>>, vector<16xi32>,
      tpu.vector_store_idx %arg5[%get3A_45], %broadcast_in_dim3A_9 {add = true} : memref<10240xf32, #tpu.memory_space<vmem>>[vector<16xi32>], vector<16xf32>,
      %get3A_46 = arith.index_cast %add3A_28 : i32 to index
      %get3A_47 = arith.constant 96 : index
      %get3A_48 = tpu.vector_load %arg4[%get3A_46, %get3A_47] {strides = array<i32>} : memref<92x128xi32, #tpu.memory_space<vmem>>, vector<16xi32>,
      tpu.vector_store_idx %arg5[%get3A_48], %broadcast_in_dim3A_9 {add = true} : memref<10240xf32, #tpu.memory_space<vmem>>[vector<16xi32>], vector<16xf32>,
      %get3A_49 = arith.index_cast %add3A_28 : i32 to index
      %get3A_50 = arith.constant 112 : index
      %get3A_51 = tpu.vector_load %arg4[%get3A_49, %get3A_50] {strides = array<i32>} : memref<92x128xi32, #tpu.memory_space<vmem>>, vector<16xi32>,
      tpu.vector_store_idx %arg5[%get3A_51], %broadcast_in_dim3A_9 {add = true} : memref<10240xf32, #tpu.memory_space<vmem>>[vector<16xi32>], vector<16xf32>,
    }
    "tpu.region"() ({
      %run_scoped3A = tpu.sem_alloc : memref<!tpu.dma_semaphore, #tpu.memory_space<semaphore_mem>>
      %dma_start3A = arith.constant 0 : i32
      %dma_start3A_26 = tpu.memref_slice %arg3[%add3A, %dma_start3A] : memref<32x10240xf32, #tpu.memory_space<hbm>> -> memref<1x10240xf32, #tpu.memory_space<hbm>>
      %dma_start3A_27 = tpu.memref_squeeze %dma_start3A_26 : memref<1x10240xf32, #tpu.memory_space<hbm>> -> memref<10240xf32, #tpu.memory_space<hbm>>
      %dma_start3A_28 = arith.constant 0 : i32
      %dma_start3A_29 = tpu.memref_slice %arg3[%add3A, %dma_start3A_28] : memref<32x10240xf32, #tpu.memory_space<hbm>> -> memref<1x10240xf32, #tpu.memory_space<hbm>>
      %dma_start3A_30 = tpu.memref_squeeze %dma_start3A_29 : memref<1x10240xf32, #tpu.memory_space<hbm>> -> memref<10240xf32, #tpu.memory_space<hbm>>
      tpu.enqueue_dma source(%arg5 : memref<10240xf32, #tpu.memory_space<vmem>>) target(%dma_start3A_30 : memref<10240xf32, #tpu.memory_space<hbm>>) target_semaphore(%run_scoped3A : memref<!tpu.dma_semaphore, #tpu.memory_space<semaphore_mem>>)
      %dma_wait3A = arith.constant 0 : i32
      %dma_wait3A_31 = tpu.memref_slice %arg3[%add3A, %dma_wait3A] : memref<32x10240xf32, #tpu.memory_space<hbm>> -> memref<1x10240xf32, #tpu.memory_space<hbm>>
      %dma_wait3A_32 = tpu.memref_squeeze %dma_wait3A_31 : memref<1x10240xf32, #tpu.memory_space<hbm>> -> memref<10240xf32, #tpu.memory_space<hbm>>
      %dma_wait3A_33 = arith.constant 0 : i32
      %dma_wait3A_34 = tpu.memref_slice %arg3[%add3A, %dma_wait3A_33] : memref<32x10240xf32, #tpu.memory_space<hbm>> -> memref<1x10240xf32, #tpu.memory_space<hbm>>
      %dma_wait3A_35 = tpu.memref_squeeze %dma_wait3A_34 : memref<1x10240xf32, #tpu.memory_space<hbm>> -> memref<10240xf32, #tpu.memory_space<hbm>>
      tpu.wait_dma2 semaphore(%run_scoped3A : memref<!tpu.dma_semaphore, #tpu.memory_space<semaphore_mem>>) src(%arg5 : memref<10240xf32, #tpu.memory_space<vmem>>) dst(%dma_wait3A_35 : memref<10240xf32, #tpu.memory_space<hbm>>)
      tpu.yield
    }) : () -> ()
    return
  }
}

module attributes {stable_mosaic.version = 14 : i64} {
  func.func @_h2_body(%arg0: i32, %arg1: memref<1280x128xf32, #tpu.memory_space<vmem>>, %arg2: memref<128x128xf32, #tpu.memory_space<vmem>>, %arg3: memref<32x1280xf32, #tpu.memory_space<vmem>>, %arg4: memref<1280x128xf32, #tpu.memory_space<vmem>>, %arg5: memref<1280x1xf32, #tpu.memory_space<vmem>>) attributes {dimension_semantics = [#tpu.dimension_semantics<arbitrary>], iteration_bounds = array<i64: 8>, scalar_prefetch = 0 : i64, scratch_operands = 0 : i64, tpu.core_type = #tpu.core_type<tc>, window_params = [{transform_indices = @transform_0, window_bounds = array<i64: 1280, 128>}, {pipeline_mode = #tpu.pipeline_mode<synchronous>, transform_indices = @transform_1, window_bounds = array<i64: 128, 128>}, {transform_indices = @transform_2, window_bounds = array<i64: 32, 1280>}, {transform_indices = @transform_3, window_bounds = array<i64: 1280, 128>}, {transform_indices = @transform_4, window_bounds = array<i64: 1280, 1>}]} {
    %get3A = arith.constant 0 : index
    %get3A_0 = arith.constant 0 : index
    %get3A_1 = vector.load %arg3[%get3A, %get3A_0] : memref<32x1280xf32, #tpu.memory_space<vmem>>, vector<32x1280xf32>
    %reduce_sum3A = arith.constant dense<0.000000e+00> : vector<1280xf32>
    %reduce_sum3A_2 = vector.multi_reduction <add>, %get3A_1, %reduce_sum3A [0] : vector<32x1280xf32> to vector<1280xf32>
    %add3A = arith.constant 1.000000e+00 : f32
    %add3A_3 = vector.broadcast %add3A : f32 to vector<1280xf32>
    %add3A_4 = arith.addf %reduce_sum3A_2, %add3A_3 : vector<1280xf32>
    %rsqrt3A = math.rsqrt %add3A_4 : vector<1280xf32>
    %get3A_5 = arith.constant 0 : index
    %get3A_6 = arith.constant 0 : index
    %get3A_7 = vector.load %arg1[%get3A_5, %get3A_6] : memref<1280x128xf32, #tpu.memory_space<vmem>>, vector<1280x128xf32>
    %get3A_8 = arith.constant 0 : index
    %get3A_9 = arith.constant 0 : index
    %get3A_10 = vector.load %arg2[%get3A_8, %get3A_9] : memref<128x128xf32, #tpu.memory_space<vmem>>, vector<128x128xf32>
    %dot_general3A = arith.constant dense<0.000000e+00> : vector<1280x128xf32>
    %dot_general3A_11 = tpu.matmul %get3A_7, %get3A_10, %dot_general3A {dimension_numbers = #tpu.dot_dimension_numbers<[1], [0], [0], [1], [0, 0, 1, 1], [], []>, transpose_lhs_hint = false} : vector<1280x128xf32>, vector<128x128xf32>, vector<1280x128xf32> -> vector<1280x128xf32>
    %broadcast_in_dim3A = vector.shape_cast %rsqrt3A : vector<1280xf32> to vector<1280x1xf32>
    %mul3A = vector.broadcast %broadcast_in_dim3A : vector<1280x1xf32> to vector<1280x128xf32>
    %mul3A_12 = arith.mulf %dot_general3A_11, %mul3A : vector<1280x128xf32>
    %swap3A = arith.constant 0 : index
    %swap3A_13 = arith.constant 0 : index
    %swap3A_14 = vector.load %arg4[%swap3A, %swap3A_13] : memref<1280x128xf32, #tpu.memory_space<vmem>>, vector<1280x128xf32>
    tpu.vector_store %arg4[%swap3A, %swap3A_13], %mul3A_12 {strides = array<i32>} : memref<1280x128xf32, #tpu.memory_space<vmem>>, vector<1280x128xf32>,
    %broadcast_in_dim3A_15 = vector.shape_cast %rsqrt3A : vector<1280xf32> to vector<1280x1xf32>
    %swap3A_16 = arith.constant 0 : index
    %swap3A_17 = arith.constant 0 : index
    %swap3A_18 = vector.load %arg5[%swap3A_16, %swap3A_17] : memref<1280x1xf32, #tpu.memory_space<vmem>>, vector<1280x1xf32>
    tpu.vector_store %arg5[%swap3A_16, %swap3A_17], %broadcast_in_dim3A_15 {strides = array<i32>} : memref<1280x1xf32, #tpu.memory_space<vmem>>, vector<1280x1xf32>,
    return
  }
  func.func @transform_0(%arg0: i32) -> (i32, i32) {
    %c0_i32 = arith.constant 0 : i32
    %c0_i32_0 = arith.constant 0 : i32
    return %arg0, %c0_i32 : i32, i32
  }
  func.func @transform_1(%arg0: i32) -> (i32, i32) {
    %c0_i32 = arith.constant 0 : i32
    %c0_i32_0 = arith.constant 0 : i32
    %c0_i32_1 = arith.constant 0 : i32
    return %c0_i32, %c0_i32_0 : i32, i32
  }
  func.func @transform_2(%arg0: i32) -> (i32, i32) {
    %c0_i32 = arith.constant 0 : i32
    %c0_i32_0 = arith.constant 0 : i32
    return %c0_i32, %arg0 : i32, i32
  }
  func.func @transform_3(%arg0: i32) -> (i32, i32) {
    %c0_i32 = arith.constant 0 : i32
    %c0_i32_0 = arith.constant 0 : i32
    return %arg0, %c0_i32 : i32, i32
  }
  func.func @transform_4(%arg0: i32) -> (i32, i32) {
    %c0_i32 = arith.constant 0 : i32
    %c0_i32_0 = arith.constant 0 : i32
    return %arg0, %c0_i32 : i32, i32
  }
}

module attributes {stable_mosaic.version = 14 : i64} {
  func.func @_bn_body(%arg0: memref<2x10240x128xf32, #tpu.memory_space<vmem>>, %arg1: memref<10240x128xf32, #tpu.memory_space<vmem>>, %arg2: memref<10240x1xf32, #tpu.memory_space<vmem>>, %arg3: memref<128xf32, #tpu.memory_space<vmem>>, %arg4: memref<128xf32, #tpu.memory_space<vmem>>, %arg5: memref<128xf32, #tpu.memory_space<vmem>>, %arg6: memref<10000x128xf32, #tpu.memory_space<vmem>>) attributes {dimension_semantics = [], scalar_prefetch = 0 : i64, scratch_operands = 0 : i64, tpu.core_type = #tpu.core_type<tc>} {
    %get3A = arith.constant 0 : index
    %get3A_0 = arith.constant 0 : index
    %get3A_1 = arith.constant 0 : index
    %get3A_2 = vector.load %arg0[%get3A, %get3A_0, %get3A_1] : memref<2x10240x128xf32, #tpu.memory_space<vmem>>, vector<1x10000x128xf32>
    %get3A_3 = vector.shape_cast %get3A_2 : vector<1x10000x128xf32> to vector<10000x128xf32>
    %get3A_4 = arith.constant 1 : index
    %get3A_5 = arith.constant 0 : index
    %get3A_6 = arith.constant 0 : index
    %get3A_7 = vector.load %arg0[%get3A_4, %get3A_5, %get3A_6] : memref<2x10240x128xf32, #tpu.memory_space<vmem>>, vector<1x10000x128xf32>
    %get3A_8 = vector.shape_cast %get3A_7 : vector<1x10000x128xf32> to vector<10000x128xf32>
    %add3A = arith.addf %get3A_3, %get3A_8 : vector<10000x128xf32>
    %get3A_9 = arith.constant 0 : index
    %get3A_10 = arith.constant 0 : index
    %get3A_11 = vector.load %arg1[%get3A_9, %get3A_10] : memref<10240x128xf32, #tpu.memory_space<vmem>>, vector<10000x128xf32>
    %add3A_12 = arith.addf %add3A, %get3A_11 : vector<10000x128xf32>
    %get3A_13 = arith.constant 0 : index
    %get3A_14 = arith.constant 0 : index
    %get3A_15 = vector.load %arg2[%get3A_13, %get3A_14] : memref<10240x1xf32, #tpu.memory_space<vmem>>, vector<10000x1xf32>
    %mul3A = vector.broadcast %get3A_15 : vector<10000x1xf32> to vector<10000x128xf32>
    %mul3A_16 = arith.mulf %add3A_12, %mul3A : vector<10000x128xf32>
    %get3A_17 = arith.constant 0 : index
    %get3A_18 = vector.load %arg3[%get3A_17] : memref<128xf32, #tpu.memory_space<vmem>>, vector<128xf32>
    %broadcast_in_dim3A = vector.shape_cast %get3A_18 : vector<128xf32> to vector<1x128xf32>
    %add3A_19 = vector.broadcast %broadcast_in_dim3A : vector<1x128xf32> to vector<10000x128xf32>
    %add3A_20 = arith.addf %mul3A_16, %add3A_19 : vector<10000x128xf32>
    %reduce_sum3A = arith.constant dense<0.000000e+00> : vector<128xf32>
    %reduce_sum3A_21 = vector.multi_reduction <add>, %add3A_20, %reduce_sum3A [0] : vector<10000x128xf32> to vector<128xf32>
    %div3A = arith.constant 1.000000e+04 : f32
    %div3A_22 = vector.broadcast %div3A : f32 to vector<128xf32>
    %div3A_23 = arith.divf %reduce_sum3A_21, %div3A_22 : vector<128xf32>
    %broadcast_in_dim3A_24 = vector.shape_cast %div3A_23 : vector<128xf32> to vector<1x128xf32>
    %sub3A = vector.broadcast %broadcast_in_dim3A_24 : vector<1x128xf32> to vector<10000x128xf32>
    %sub3A_25 = arith.subf %add3A_20, %sub3A : vector<10000x128xf32>
    %integer_pow3A = arith.mulf %sub3A_25, %sub3A_25 : vector<10000x128xf32>
    %reduce_sum3A_26 = arith.constant dense<0.000000e+00> : vector<128xf32>
    %reduce_sum3A_27 = vector.multi_reduction <add>, %integer_pow3A, %reduce_sum3A_26 [0] : vector<10000x128xf32> to vector<128xf32>
    %div3A_28 = arith.constant 1.000000e+04 : f32
    %div3A_29 = vector.broadcast %div3A_28 : f32 to vector<128xf32>
    %div3A_30 = arith.divf %reduce_sum3A_27, %div3A_29 : vector<128xf32>
    %broadcast_in_dim3A_31 = vector.shape_cast %div3A_23 : vector<128xf32> to vector<1x128xf32>
    %sub3A_32 = vector.broadcast %broadcast_in_dim3A_31 : vector<1x128xf32> to vector<10000x128xf32>
    %sub3A_33 = arith.subf %add3A_20, %sub3A_32 : vector<10000x128xf32>
    %add3A_34 = arith.constant 9.99999974E-6 : f32
    %add3A_35 = vector.broadcast %add3A_34 : f32 to vector<128xf32>
    %add3A_36 = arith.addf %div3A_30, %add3A_35 : vector<128xf32>
    %rsqrt3A = math.rsqrt %add3A_36 : vector<128xf32>
    %broadcast_in_dim3A_37 = vector.shape_cast %rsqrt3A : vector<128xf32> to vector<1x128xf32>
    %mul3A_38 = vector.broadcast %broadcast_in_dim3A_37 : vector<1x128xf32> to vector<10000x128xf32>
    %mul3A_39 = arith.mulf %sub3A_33, %mul3A_38 : vector<10000x128xf32>
    %get3A_40 = arith.constant 0 : index
    %get3A_41 = vector.load %arg4[%get3A_40] : memref<128xf32, #tpu.memory_space<vmem>>, vector<128xf32>
    %broadcast_in_dim3A_42 = vector.shape_cast %get3A_41 : vector<128xf32> to vector<1x128xf32>
    %mul3A_43 = vector.broadcast %broadcast_in_dim3A_42 : vector<1x128xf32> to vector<10000x128xf32>
    %mul3A_44 = arith.mulf %mul3A_39, %mul3A_43 : vector<10000x128xf32>
    %get3A_45 = arith.constant 0 : index
    %get3A_46 = vector.load %arg5[%get3A_45] : memref<128xf32, #tpu.memory_space<vmem>>, vector<128xf32>
    %broadcast_in_dim3A_47 = vector.shape_cast %get3A_46 : vector<128xf32> to vector<1x128xf32>
    %add3A_48 = vector.broadcast %broadcast_in_dim3A_47 : vector<1x128xf32> to vector<10000x128xf32>
    %add3A_49 = arith.addf %mul3A_44, %add3A_48 : vector<10000x128xf32>
    %max3A = arith.constant 0.000000e+00 : f32
    %max3A_50 = vector.broadcast %max3A : f32 to vector<10000x128xf32>
    %max3A_51 = arith.maximumf %add3A_49, %max3A_50 : vector<10000x128xf32>
    %swap3A = arith.constant 0 : index
    %swap3A_52 = arith.constant 0 : index
    %swap3A_53 = vector.load %arg6[%swap3A, %swap3A_52] : memref<10000x128xf32, #tpu.memory_space<vmem>>, vector<10000x128xf32>
    tpu.vector_store %arg6[%swap3A, %swap3A_52], %max3A_51 {strides = array<i32>} : memref<10000x128xf32, #tpu.memory_space<vmem>>, vector<10000x128xf32>,
    return
  }
}

</mosaic_0001>

<sc_bundles>
// kernel: kernel.6.cloned.1.call-start
scs
__scs_entry_jumppad:
0x0: {  	(pc) =	sbr.rel $0x88, $3  }
0x1: {  	(tag) =	ssettag $0x0;
	lr =	simm.s32 $0x1  }
0x2: {  	[smem:$0x3F9B] =	sst lr;
	_ =	strace $0xD0000000  }
0x3: {  	_ = 	snop  }
0x4: {  	_ = 	snop  }
0x5: {  	_ = 	snop  }
0x6: {  	_ = 	snop  }
0x7: {  	_ = 	snop  }
__scs_overlays_trampoline_lowered:
0x8: {  	[smem:$0x3FAA] =	sst s0  }
0x9: {  	[smem:$0x3FAB] =	sst s1  }
0xa: {  	[smem:$0x3FAC] =	sst s2  }
0xb: {  	[smem:$0x3FAD] =	sst s3  }
0xc: {  	[smem:$0x3FAE] =	sst s4  }
0xd: {  	[smem:$0x3FAF] =	sst s5  }
0xe: {  	[smem:$0x3FB0] =	sst s6  }
0xf: {  	[smem:$0x3FB1] =	sst s7  }
0x10: {  	[smem:$0x3FB2] =	sst s8  }
0x11: {  	[smem:$0x3FB3] =	sst s9;
	s0 =	simm.s32 @!p0 $0x0  }
0x12: {  	s1 =	sld [smem:$0x3F99];
	s0 =	simm.s32 @p0 $0x1  }
0x13: {  	[smem:$0x3FB4] =	sst s0;
	s0 =	simm.s32 @!p1 $0x0  }
0x14: {  	s2 =	sld [smem:$0x3F98];
	s0 =	simm.s32 @p1 $0x1  }
0x15: {  	[smem:$0x3FB5] =	sst s0;
	s0 =	simm.s32 @!p2 $0x0  }
0x16: {  	s3 =	sld [smem:$0x3FDB];
	s0 =	simm.s32 @p2 $0x1  }
0x17: {  	s4 =	simm.s32 $0x1BF5;
	[smem:$0x3FB7] =	sst s0  }
0x18: {  	s0 =	sld [smem:$0x3F9A];
	_ =	swait.ge [sflag:s4], $0x0  }
0x19: {  	s7 =	sld [smem:$0x3F9B]  }
0x1a: {  	s8 =	sadd.s32 $0xFFFFE003, lr  }
0x1b: {  	s9 =	sadd.s32 $0xFFFFFEF7, lr;
	s5 =	simm.s32 $0xFFFFFFFF;
	p2 =	slt.u32 s8, $0xFFFFF086  }
0x1c: {  	p1 =	slt.u32 s9, $0xF7A;
	s5 =	simm.s32 @!p2 $0x0  }
0x1d: {  	s5 =	simm.s32 @p1 $0x1;
	p0 =	seq.s32 s7, s2  }
0x1e: {  	s7 =	smul.u32 @!p0 $0xF7A, s2;
	p2 =	seq.s32 @!p0 s5, $0x0  }
0x1f: {  	s9 =	smul.u32 $0xF7A, s1;
	s8 =	simm.s32 @!p0 $0x1BF5;
	p2 =	por !p2, p0  }
0x20: {  	[sflag:s8] =	ssyncset.s32 @!p0 $0xFFFFF086;
	s6 =	sadd.s32 @!p0 s3, s7;
	s7 =	simm.s32 @!p0 $0x108  }
0x21: {  	s3 =	sadd.s32 s3, s9;
	s6 =	sadd.s32 @!p0 $0x88, s6;
	s7 =	simm.s32 @p2 $0x1082  }
0x22: {  	[simem:s7], [sflag:s8] =	dma.local @!p0 [hbm:s6], $0xF7A  }
0x23: {  	s9 =	sor.u32 $0xD0000000, s2;
	s6 =	simm.s32 $0x108;
	_ =	swait.ge @!p0 [sflag:s8], $0x0  }
0x24: {  	s3 =	sadd.s32 $0x88, s3;
	s6 =	simm.s32 @!p1 $0x1082;
	[sflag:s4] =	ssyncset.s32 $0xFFFFF086  }
0x25: {  	[simem:s6], [sflag:s4] =	dma.local [hbm:s3], $0xF7A  }
0x26: {  	[smem:$0x3F9B] =	sst s1;
	(tag) =	ssettag s2;
	_ =	strace s9  }
0x27: {  	s1 =	sld [smem:$0x3FAB]  }
0x28: {  	s2 =	sld [smem:$0x3FAC]  }
0x29: {  	s4 =	sld [smem:$0x3FAE]  }
0x2a: {  	p0 =	seq.s32 s5, $0x0;
	s5 =	sld [smem:$0x3FAF]  }
0x2b: {  	s6 =	sld [smem:$0x3FB0]  }
0x2c: {  	s7 =	sld [smem:$0x3FB1]  }
0x2d: {  	s3 =	simm.s32 $0x108;
	s8 =	sld [smem:$0x3FB2]  }
0x2e: {  	s3 =	simm.s32 @!p0 $0x1082;
	s9 =	sld [smem:$0x3FB3]  }
0x2f: {  	lr =	sadd.s32 s0, s3;
	s0 =	sld [smem:$0x3FAA]  }
0x30: {  	s3 =	sld [smem:$0x3FAD]  }
0x31: {  	[smem:$0x3FB6] =	sst s10  }
0x32: {  	s10 =	sld [smem:$0x3FB4];
	_ =	sdelay $0x3  }
0x33: {  	p0 =	seq.s32 s10, $0x1;
	s10 =	sld [smem:$0x3FB6];
	_ =	sdelay $0x3  }
0x34: {  	[smem:$0x3FB6] =	sst s10  }
0x35: {  	s10 =	sld [smem:$0x3FB5];
	_ =	sdelay $0x3  }
0x36: {  	p1 =	seq.s32 s10, $0x1;
	s10 =	sld [smem:$0x3FB6];
	_ =	sdelay $0x3  }
0x37: {  	[smem:$0x3FB6] =	sst s10  }
0x38: {  	s10 =	sld [smem:$0x3FB7]  }
0x39: {  	_ = 	snop;
	(pc) =	sbr.ind lr, $3  }
0x3a: {  	_ = 	snop  }
0x3b: {  	_ = 	snop  }
0x3c: {  	p2 =	seq.s32 s10, $0x1;
	s10 =	sld [smem:$0x3FB6]  }
0x3d: {  	_ =	shalt  }
0x3e: {  	_ =	shalt  }
0x3f: {  	_ =	shalt  }
0x40: {  	_ =	shalt  }
0x41: {  	_ =	shalt  }
0x42: {  	_ =	shalt  }
0x43: {  	_ =	shalt  }
0x44: {  	_ =	shalt  }
0x45: {  	_ =	shalt  }
0x46: {  	_ =	shalt  }
0x47: {  	_ =	shalt  }
0x48: {  	_ =	shalt  }
0x49: {  	_ =	shalt  }
0x4a: {  	_ =	shalt  }
0x4b: {  	_ =	shalt  }
0x4c: {  	_ =	shalt  }
0x4d: {  	_ =	shalt  }
0x4e: {  	_ =	shalt  }
0x4f: {  	_ =	shalt  }
0x50: {  	_ =	shalt  }
0x51: {  	_ =	shalt  }
0x52: {  	_ =	shalt  }
0x53: {  	_ =	shalt  }
0x54: {  	_ =	shalt  }
0x55: {  	_ =	shalt  }
0x56: {  	_ =	shalt  }
0x57: {  	_ =	shalt  }
0x58: {  	_ =	shalt  }
0x59: {  	_ =	shalt  }
0x5a: {  	_ =	shalt  }
0x5b: {  	_ =	shalt  }
0x5c: {  	_ =	shalt  }
0x5d: {  	_ =	shalt  }
0x5e: {  	_ =	shalt  }
0x5f: {  	_ =	shalt  }
0x60: {  	_ =	shalt  }
0x61: {  	_ =	shalt  }
0x62: {  	_ =	shalt  }
0x63: {  	_ =	shalt  }
0x64: {  	_ =	shalt  }
0x65: {  	_ =	shalt  }
0x66: {  	_ =	shalt  }
0x67: {  	_ =	shalt  }
0x68: {  	_ =	shalt  }
0x69: {  	_ =	shalt  }
0x6a: {  	_ =	shalt  }
0x6b: {  	_ =	shalt  }
0x6c: {  	_ =	shalt  }
0x6d: {  	_ =	shalt  }
0x6e: {  	_ =	shalt  }
0x6f: {  	_ =	shalt  }
0x70: {  	_ =	shalt  }
0x71: {  	_ =	shalt  }
0x72: {  	_ =	shalt  }
0x73: {  	_ =	shalt  }
0x74: {  	_ =	shalt  }
0x75: {  	_ =	shalt  }
0x76: {  	_ =	shalt  }
0x77: {  	_ =	shalt  }
0x78: {  	_ =	shalt  }
0x79: {  	_ =	shalt  }
0x7a: {  	_ =	shalt  }
0x7b: {  	_ =	shalt  }
0x7c: {  	_ =	shalt  }
0x7d: {  	_ =	shalt  }
0x7e: {  	_ =	shalt  }
0x7f: {  	_ =	shalt  }
0x80: {  	_ =	shalt  }
0x81: {  	_ =	shalt  }
0x82: {  	_ =	shalt  }
0x83: {  	_ =	shalt  }
0x84: {  	_ =	shalt  }
0x85: {  	_ =	shalt  }
0x86: {  	_ =	shalt  }
0x87: {  	_ =	shalt  }
.Lfunc_end0:
.L_simem_size_0:
called_computation_lowered:
.L_overlay_start_0:
0x88: {  	s2 =	sld [smem:$0x3FD9]  }
0x89: {  	s3 =	sld [smem:$0x3FFE];
	_ =	sdelay $0x1  }
0x8a: {  	s1 =	srdreg.scid  }
0x8b: {  	s0 =	sand.u32 $0x1, s1  }
0x8c: {  	s17 =	sshll.u32 s0, $0xA;
	s2 =	sadd.s32 s3, s2  }
0x8d: {  	s2 =	sadd.s32 s2, s17  }
0x8e: {  	[smem:$0x3FC2] =	sst s2  }
0x8f: {  	_ = 	snop  }
0x90: {  	s2 =	sld [smem:$0x3FD0];
	(tm) =	ssettm $0x1  }
0x91: {  	s18 =	sld [smem:$0x3FFB];
	_ =	sdelay $0x3  }
0x92: {  	_ =	strace s18  }
0x93: {  	s3 =	sld [smem:$0x3FFC];
	_ =	sdelay $0x3  }
0x94: {  	_ =	strace s3  }
0x95: {  	s3 =	sld [smem:$0x3FFD];
	_ =	sdelay $0x3  }
0x96: {  	_ =	strace s3  }
0x97: {  	_ =	strace $0x8FFFFFFF  }
0x98: {  	s19 =	sld [smem:$0x3FDB];
	_ =	sdelay $0x1  }
0x99: {  	s4 =	simm.s32 $_scs_section_size  }
0x9a: {  	s5 =	simm.s32 $_size__tile_overlayer_lowered;
	s6 =	simm.s32 $_tile_overlayer_lowered  }
0x9b: {  	s22 =	simm.s32 $0x1BFF;
	s21 =	sshll.u32 s6, $0x1;
	s3 =	sadd.s32 s4, s19  }
0x9c: {  	s7 =	simm.s32 $0x0;
	s20 =	sshll.u32 s5, $0x1;
	s5 =	sadd.s32 s21, s3  }
0x9d: {  	[timem:s7], [sflag:s22] =	dma.local [hbm:s5], s20  }
0x9e: {  	_ =	swait.ge [sflag:s22], s20  }
0x9f: {  	s4 =	ssub.s32 $0x0, s20;
	[sflag:s22] =	ssyncset.done $0x0  }
0xa0: {  	[sflag:s22] =	ssyncadd.s32 s4;
	_ =	sdelay $0x1  }
0xa1: {  	s23 =	simm.s32 $0x1B8B  }
0xa2: {  	_ =	swait.ge [sflag:s23], $0x1  }
0xa3: {  	[sflag:s23] =	ssyncset.done $0x0  }
0xa4: {  	s25 =	simm.s32 $0x1B8E;
	s24 =	sld [smem:$0x3FFE];
	[sflag:s23] =	ssyncadd.s32 $0xFFFFFFFF  }
0xa5: {  	s26 =	simm.s32 $execute0_lowered;
	[smem:$0x3FD2] =	sst s25  }
0xa6: {  	s5 =	sshll.u32 s26, $0x1;
	_ =	strace $0x80000046;
	[dreg:$0x1] =	wrdreg $0xFFFFFFFF  }
0xa7: {  	s28 =	simm.s32 $_size_execute0_lowered;
	s3 =	sadd.s32 s3, s5;
	[dreg:$0x0] =	wrdreg $0x0  }
0xa8: {  	s5 =	sshll.u32 s28, $0x1;
	[dreg:$0x2] =	wrdreg s3  }
0xa9: {  	[dreg:$0x3] =	wrdreg s5  }
0xaa: {  	[dreg:$0x4] =	wrdreg $0xC0  }
0xab: {  	_ =	task [dreg:s7], $0x5FFFF  }
0xac: {  	[dreg:$0x1] =	wrdreg $0xFFFFFFFF  }
0xad: {  	[dreg:$0x0] =	wrdreg $0x60  }
0xae: {  	[dreg:$0x2] =	wrdreg s2  }
0xaf: {  	[dreg:$0x3] =	wrdreg s24  }
0xb0: {  	[dreg:$0x4] =	wrdreg $0x9  }
0xb1: {  	_ =	task.clear_ibuf [dreg:s7], $0x5FFFF;
	_ =	strace $0x90000046  }
0xb2: {  	s29 =	simm.s32 $0x9;
	_ =	strace $0x80000048  }
0xb3: {  	_ =	swait.ge [sflag:s29], $0x1  }
0xb4: {  	[sflag:s29] =	ssyncadd.s32 $0xFFFFFFFF  }
0xb5: {  	_ =	strace $0x90000048  }
0xb6: {  	_ =	sfence  }
0xb7: {  	s30 =	sld [smem:$0x0];
	_ =	sdelay $0x2  }
0xb8: {  	s31 =	sshll.u32 s1, $0xD;
	s1 =	sshrl.u32 s1, $0x2  }
0xb9: {  	s3 =	sand.u32 $0x4000, s31;
	s1 =	sadd.s32 s1, s30  }
0xba: {  	s0 =	sor.u32 s3, s0;
	s1 =	sshll.u32 s1, $0x11  }
0xbb: {  	s0 =	sor.u32 s1, s0  }
0xbc: {  	s0 =	sadd.s32 $0x8F2B, s0  }
0xbd: {  	[sflag:s0] =	ssyncadd.remote.s32 $0x1  }
0xbe: {  	_ =	sfence.sel $0xFFFF  }
0xbf: {  	[dreg:$0x0] =	wrdreg $0xFFFFFFFF;
	(pc) =	sbr.abs _section_cstart, $3  }
0xc0: {  	[dreg:$0x1] =	wrdreg $0xFFFFFFFF  }
0xc1: {  	_ =	task.clear_ibuf [dreg:s7], $0x2FFFF;
	_ =	strace $0x9FFFFFFF  }
0xc2: {  	(tm) =	ssettm $0x7FFFFFFF  }
0xc3: {  	_ =	shalt  }
tec
execute0_lowered:
.L_overlay_start_1:
0x0: {  	(tag) =	ssettag $0x1  }
0x1: {  	s1 =	srdreg.scid  }
0x2: {  	s0 =	stileid.u32;
	s4 =	rddreg [dreg:$0x0]  }
0x3: {  	s6 =	rddreg [dreg:$0x1];
	s2 =	simm.s32 $0x0;
	s9 =	simm.s32 $0x80  }
0x4: {  	s10 =	simm.s32 $0x400;
	s11 =	simm.s32 $0x0;
	s3 =	sand.u32 $0x1, s1  }
0x5: {  	s28 =	sshll.u32 s0, $0x1;
	s29 =	sshrl.u32 s0, $0x2;
	s1 =	rddreg [dreg:$0x2]  }
0x6: {  	[smem:$0x7FF] =	sst s2;
	s5 =	sor.u32 s3, s28;
	s7 =	smul.u32 $0x14000, s29  }
0x7: {  	_ =	strace $0x80000047;
	s30 =	ssub.s32 $0x2, s3;
	s8 =	sshll.u32 s5, $0x7  }
0x8: {  	p0 =	seq.s32 s3, $0x0;
	s5 =	smul.u32 $0x600, s5;
	s8 =	sand.u32 $0x380, s8  }
0x9: {  	s3 =	simm.s32 $0x5C;
	s31 =	sshrl.u32 s30, $0x1;
	s7 =	sor.u32 s7, s8  }
0xa: {  	s3 =	simm.s32 @!p0 $0x41;
	s4 =	sadd.s32 s4, s5;
	s7 =	sshrl.u32 s7, $0x3  }
0xb: {  	s8 =	simm.s32 $0x3000;
	s6 =	sadd.s32 s7, s6;
	s7 =	ssub.s32 s30, s31  }
0xc: {  	v0 =	vimm.f32 $0.0e+00;
	v1 =	vimm.f32 $1.000000000e+00;
	s5 =	sadd.s32 $0x2000, s6;
	s6 =	smax.u32 s7, $0x1;
	s7 =	simm.s32 $0x1  }
.LBB2_1:
0xd: {  	s12 =	simm.s32 $0x40;
	s13 =	simm.s32 $0x0  }
.LBB2_2:
0xe: {  	p0 =	sne.s32 s12, $0x9FC0;
	[tilespmem:s13+$0x3000] =	vst v0;
	s13 =	smov.u32 s12;
	s12 =	sadd.s32 $0x40, s12  }
.Ltmp0:
0xf: {  	(pc) =	sbr.rel @p0 .LBB2_2-.Ltmp0, $2  }
0x10: {  	_ =	sdelay $0x2  }
0x11: {  	s13 =	sshra.s32 s13, $0x2  }
0x12: {  	[tilespmem:s13+$0x3000] =	vst v0  }
0x13: {  	[tilespmem:s2], [sflag:$0x1] =	stream.linear.gather [hbm4b:s4+s2], $0x2E00, $0x38;
	[tilespmem:$0x5800] =	vst v63  }
0x14: {  	_ =	swait.ge [sflag:s7], $0x2E00  }
0x15: {  	[sflag:s7] =	ssyncset.done $0x0  }
0x16: {  	s12 =	simm.s32 $0x40;
	s13 =	smov.u32 s3;
	[sflag:s7] =	ssyncadd.s32 $0xFFFFD200  }
.LBB2_4:
0x17: {  	v2 =	vld [tilespmem:s12+$0xFFFFFFC0];
	_ =	sdelay $0x7  }
0x18: {  	[tilespmem:v2+s8+$0x0] =	vst.idx.add.f32.msk $0xffff, v1  }
0x19: {  	v2 =	vld [tilespmem:s12+$0xFFFFFFD0];
	_ =	sdelay $0x7  }
0x1a: {  	[tilespmem:v2+s8+$0x0] =	vst.idx.add.f32.msk $0xffff, v1  }
0x1b: {  	v2 =	vld [tilespmem:s12+$0xFFFFFFE0];
	_ =	sdelay $0x7  }
0x1c: {  	[tilespmem:v2+s8+$0x0] =	vst.idx.add.f32.msk $0xffff, v1  }
0x1d: {  	v2 =	vld [tilespmem:s12+$0xFFFFFFF0];
	_ =	sdelay $0x7  }
0x1e: {  	[tilespmem:v2+s8+$0x0] =	vst.idx.add.f32.msk $0xffff, v1  }
0x1f: {  	v2 =	vld [tilespmem:s12+$0x0];
	_ =	sdelay $0x7  }
0x20: {  	[tilespmem:v2+s8+$0x0] =	vst.idx.add.f32.msk $0xffff, v1  }
0x21: {  	v2 =	vld [tilespmem:s12+$0x10];
	_ =	sdelay $0x7  }
0x22: {  	[tilespmem:v2+s8+$0x0] =	vst.idx.add.f32.msk $0xffff, v1  }
0x23: {  	v2 =	vld [tilespmem:s12+$0x20];
	_ =	sdelay $0x7  }
0x24: {  	[tilespmem:v2+s8+$0x0] =	vst.idx.add.f32.msk $0xffff, v1  }
0x25: {  	v2 =	vld [tilespmem:s12+$0x30];
	_ =	sdelay $0x2  }
0x26: {  	p0 =	sne.s32 s13, $0x1  }
.Ltmp1:
0x27: {  	_ = 	snop;
	(pc) =	sbr.rel @p0 .LBB2_4-.Ltmp1, $2  }
0x28: {  	_ =	sdelay $0x2  }
0x29: {  	s13 =	sadd.s32 $0xFFFFFFFF, s13;
	s12 =	sadd.s32 $0x80, s12;
	[tilespmem:v2+s8+$0x0] =	vst.idx.add.f32.msk $0xffff, v1  }
0x2a: {  	s11 =	sadd.s32 $0x1, s11  }
0x2b: {  	p0 =	sne.s32 s11, s6  }
.Ltmp2:
0x2c: {  	_ = 	snop;
	(pc) =	sbr.rel @p0 .LBB2_1-.Ltmp2, $4  }
0x2d: {  	[hbm4b:s5+s9] =	stream.strided.scatter [tilespmem:s8], [sflag:$0x1], $0x2800, s10, s9, $0x38;
	[tilespmem:$0x5800] =	vst v63  }
0x2e: {  	_ =	swait.ge [sflag:s7], $0x2800  }
0x2f: {  	[sflag:s7] =	ssyncset.done $0x0  }
0x30: {  	[sflag:s7] =	ssyncadd.s32 $0xFFFFD800  }
0x31: {  	_ =	sfence.sel $0x180000  }
0x32: {  	[bflag:$0x0] =	sbarrier.arrive $0xFFFF  }
0x33: {  	p0 =	sne.s32 s0, $0x0;
	_ =	strace $0x90000047  }
0x34: {  	s0 =	sadd.s32 @!p0 $0x100000, s1;
	[bflag:$0x2] =	sbarrier.arrive $0xFFFF  }
0x35: {  	[sflag:s0] =	ssyncadd.tile.s32 @!p0 $0x1;
	_ =	shalt  }
.Lfunc_end2:
_tile_overlayer_lowered:
.L_overlay_start_2:
0x36: {  	(tag) =	ssettag $0x2  }
0x37: {  	s0 =	rddreg [dreg:$0x0];
	s2 =	stileid.u32  }
0x38: {  	s1 =	rddreg [dreg:$0x1];
	p0 =	sne.s32 s2, $0x0  }
0x39: {  	s3 =	rddreg [dreg:$0x2];
	[bflag:$0x3] =	sbarrier.arrive $0xFFFF;
	s2 =	simm.s32 @!p0 $0x1C01  }
0x3a: {  	[timem:s3], [sflag:s2] =	dma.local @!p0 [hbm:s0], s1  }
0x3b: {  	s0 =	simm.s32 @!p0 $0x1  }
0x3c: {  	_ =	swait.ge @!p0 [sflag:s0], s1  }
0x3d: {  	s1 =	ssub.s32 @!p0 $0x0, s1;
	[sflag:s0] =	ssyncset.done @!p0 $0x0  }
0x3e: {  	[sflag:s0] =	ssyncadd.s32 @!p0 s1  }
0x3f: {  	[bflag:$0x3] =	sbarrier.arrive $0xFFFF  }
0x40: {  	_ =	shalt  }

// kernel: kernel.9.cloned.1.call-start
scs
__scs_entry_jumppad:
0x0: {  	(pc) =	sbr.rel $0x88, $3  }
0x1: {  	(tag) =	ssettag $0x0;
	lr =	simm.s32 $0x1  }
0x2: {  	[smem:$0x3F9B] =	sst lr;
	_ =	strace $0xD0000000  }
0x3: {  	_ = 	snop  }
0x4: {  	_ = 	snop  }
0x5: {  	_ = 	snop  }
0x6: {  	_ = 	snop  }
0x7: {  	_ = 	snop  }
__scs_overlays_trampoline_lowered:
0x8: {  	[smem:$0x3FAA] =	sst s0  }
0x9: {  	[smem:$0x3FAB] =	sst s1  }
0xa: {  	[smem:$0x3FAC] =	sst s2  }
0xb: {  	[smem:$0x3FAD] =	sst s3  }
0xc: {  	[smem:$0x3FAE] =	sst s4  }
0xd: {  	[smem:$0x3FAF] =	sst s5  }
0xe: {  	[smem:$0x3FB0] =	sst s6  }
0xf: {  	[smem:$0x3FB1] =	sst s7  }
0x10: {  	[smem:$0x3FB2] =	sst s8  }
0x11: {  	[smem:$0x3FB3] =	sst s9;
	s0 =	simm.s32 @!p0 $0x0  }
0x12: {  	s1 =	sld [smem:$0x3F99];
	s0 =	simm.s32 @p0 $0x1  }
0x13: {  	[smem:$0x3FB4] =	sst s0;
	s0 =	simm.s32 @!p1 $0x0  }
0x14: {  	s2 =	sld [smem:$0x3F98];
	s0 =	simm.s32 @p1 $0x1  }
0x15: {  	[smem:$0x3FB5] =	sst s0;
	s0 =	simm.s32 @!p2 $0x0  }
0x16: {  	s3 =	sld [smem:$0x3FDB];
	s0 =	simm.s32 @p2 $0x1  }
0x17: {  	s4 =	simm.s32 $0x1BF5;
	[smem:$0x3FB7] =	sst s0  }
0x18: {  	s0 =	sld [smem:$0x3F9A];
	_ =	swait.ge [sflag:s4], $0x0  }
0x19: {  	s7 =	sld [smem:$0x3F9B]  }
0x1a: {  	s8 =	sadd.s32 $0xFFFFE003, lr  }
0x1b: {  	s9 =	sadd.s32 $0xFFFFFEF7, lr;
	s5 =	simm.s32 $0xFFFFFFFF;
	p2 =	slt.u32 s8, $0xFFFFF086  }
0x1c: {  	p1 =	slt.u32 s9, $0xF7A;
	s5 =	simm.s32 @!p2 $0x0  }
0x1d: {  	s5 =	simm.s32 @p1 $0x1;
	p0 =	seq.s32 s7, s2  }
0x1e: {  	s7 =	smul.u32 @!p0 $0xF7A, s2;
	p2 =	seq.s32 @!p0 s5, $0x0  }
0x1f: {  	s9 =	smul.u32 $0xF7A, s1;
	s8 =	simm.s32 @!p0 $0x1BF5;
	p2 =	por !p2, p0  }
0x20: {  	[sflag:s8] =	ssyncset.s32 @!p0 $0xFFFFF086;
	s6 =	sadd.s32 @!p0 s3, s7;
	s7 =	simm.s32 @!p0 $0x108  }
0x21: {  	s3 =	sadd.s32 s3, s9;
	s6 =	sadd.s32 @!p0 $0x88, s6;
	s7 =	simm.s32 @p2 $0x1082  }
0x22: {  	[simem:s7], [sflag:s8] =	dma.local @!p0 [hbm:s6], $0xF7A  }
0x23: {  	s9 =	sor.u32 $0xD0000000, s2;
	s6 =	simm.s32 $0x108;
	_ =	swait.ge @!p0 [sflag:s8], $0x0  }
0x24: {  	s3 =	sadd.s32 $0x88, s3;
	s6 =	simm.s32 @!p1 $0x1082;
	[sflag:s4] =	ssyncset.s32 $0xFFFFF086  }
0x25: {  	[simem:s6], [sflag:s4] =	dma.local [hbm:s3], $0xF7A  }
0x26: {  	[smem:$0x3F9B] =	sst s1;
	(tag) =	ssettag s2;
	_ =	strace s9  }
0x27: {  	s1 =	sld [smem:$0x3FAB]  }
0x28: {  	s2 =	sld [smem:$0x3FAC]  }
0x29: {  	s4 =	sld [smem:$0x3FAE]  }
0x2a: {  	p0 =	seq.s32 s5, $0x0;
	s5 =	sld [smem:$0x3FAF]  }
0x2b: {  	s6 =	sld [smem:$0x3FB0]  }
0x2c: {  	s7 =	sld [smem:$0x3FB1]  }
0x2d: {  	s3 =	simm.s32 $0x108;
	s8 =	sld [smem:$0x3FB2]  }
0x2e: {  	s3 =	simm.s32 @!p0 $0x1082;
	s9 =	sld [smem:$0x3FB3]  }
0x2f: {  	lr =	sadd.s32 s0, s3;
	s0 =	sld [smem:$0x3FAA]  }
0x30: {  	s3 =	sld [smem:$0x3FAD]  }
0x31: {  	[smem:$0x3FB6] =	sst s10  }
0x32: {  	s10 =	sld [smem:$0x3FB4];
	_ =	sdelay $0x3  }
0x33: {  	p0 =	seq.s32 s10, $0x1;
	s10 =	sld [smem:$0x3FB6];
	_ =	sdelay $0x3  }
0x34: {  	[smem:$0x3FB6] =	sst s10  }
0x35: {  	s10 =	sld [smem:$0x3FB5];
	_ =	sdelay $0x3  }
0x36: {  	p1 =	seq.s32 s10, $0x1;
	s10 =	sld [smem:$0x3FB6];
	_ =	sdelay $0x3  }
0x37: {  	[smem:$0x3FB6] =	sst s10  }
0x38: {  	s10 =	sld [smem:$0x3FB7]  }
0x39: {  	_ = 	snop;
	(pc) =	sbr.ind lr, $3  }
0x3a: {  	_ = 	snop  }
0x3b: {  	_ = 	snop  }
0x3c: {  	p2 =	seq.s32 s10, $0x1;
	s10 =	sld [smem:$0x3FB6]  }
0x3d: {  	_ =	shalt  }
0x3e: {  	_ =	shalt  }
0x3f: {  	_ =	shalt  }
0x40: {  	_ =	shalt  }
0x41: {  	_ =	shalt  }
0x42: {  	_ =	shalt  }
0x43: {  	_ =	shalt  }
0x44: {  	_ =	shalt  }
0x45: {  	_ =	shalt  }
0x46: {  	_ =	shalt  }
0x47: {  	_ =	shalt  }
0x48: {  	_ =	shalt  }
0x49: {  	_ =	shalt  }
0x4a: {  	_ =	shalt  }
0x4b: {  	_ =	shalt  }
0x4c: {  	_ =	shalt  }
0x4d: {  	_ =	shalt  }
0x4e: {  	_ =	shalt  }
0x4f: {  	_ =	shalt  }
0x50: {  	_ =	shalt  }
0x51: {  	_ =	shalt  }
0x52: {  	_ =	shalt  }
0x53: {  	_ =	shalt  }
0x54: {  	_ =	shalt  }
0x55: {  	_ =	shalt  }
0x56: {  	_ =	shalt  }
0x57: {  	_ =	shalt  }
0x58: {  	_ =	shalt  }
0x59: {  	_ =	shalt  }
0x5a: {  	_ =	shalt  }
0x5b: {  	_ =	shalt  }
0x5c: {  	_ =	shalt  }
0x5d: {  	_ =	shalt  }
0x5e: {  	_ =	shalt  }
0x5f: {  	_ =	shalt  }
0x60: {  	_ =	shalt  }
0x61: {  	_ =	shalt  }
0x62: {  	_ =	shalt  }
0x63: {  	_ =	shalt  }
0x64: {  	_ =	shalt  }
0x65: {  	_ =	shalt  }
0x66: {  	_ =	shalt  }
0x67: {  	_ =	shalt  }
0x68: {  	_ =	shalt  }
0x69: {  	_ =	shalt  }
0x6a: {  	_ =	shalt  }
0x6b: {  	_ =	shalt  }
0x6c: {  	_ =	shalt  }
0x6d: {  	_ =	shalt  }
0x6e: {  	_ =	shalt  }
0x6f: {  	_ =	shalt  }
0x70: {  	_ =	shalt  }
0x71: {  	_ =	shalt  }
0x72: {  	_ =	shalt  }
0x73: {  	_ =	shalt  }
0x74: {  	_ =	shalt  }
0x75: {  	_ =	shalt  }
0x76: {  	_ =	shalt  }
0x77: {  	_ =	shalt  }
0x78: {  	_ =	shalt  }
0x79: {  	_ =	shalt  }
0x7a: {  	_ =	shalt  }
0x7b: {  	_ =	shalt  }
0x7c: {  	_ =	shalt  }
0x7d: {  	_ =	shalt  }
0x7e: {  	_ =	shalt  }
0x7f: {  	_ =	shalt  }
0x80: {  	_ =	shalt  }
0x81: {  	_ =	shalt  }
0x82: {  	_ =	shalt  }
0x83: {  	_ =	shalt  }
0x84: {  	_ =	shalt  }
0x85: {  	_ =	shalt  }
0x86: {  	_ =	shalt  }
0x87: {  	_ =	shalt  }
.Lfunc_end0:
.L_simem_size_0:
called_computation.1_lowered:
.L_overlay_start_0:
0x88: {  	s2 =	sld [smem:$0x3FD9]  }
0x89: {  	s3 =	sld [smem:$0x3FFE];
	_ =	sdelay $0x1  }
0x8a: {  	s1 =	srdreg.scid  }
0x8b: {  	s0 =	sand.u32 $0x1, s1  }
0x8c: {  	s17 =	sshll.u32 s0, $0xA;
	s2 =	sadd.s32 s3, s2  }
0x8d: {  	s2 =	sadd.s32 s2, s17  }
0x8e: {  	[smem:$0x3FC2] =	sst s2  }
0x8f: {  	_ = 	snop  }
0x90: {  	s2 =	sld [smem:$0x3FD0];
	(tm) =	ssettm $0x1  }
0x91: {  	s18 =	sld [smem:$0x3FFB];
	_ =	sdelay $0x3  }
0x92: {  	_ =	strace s18  }
0x93: {  	s3 =	sld [smem:$0x3FFC];
	_ =	sdelay $0x3  }
0x94: {  	_ =	strace s3  }
0x95: {  	s3 =	sld [smem:$0x3FFD];
	_ =	sdelay $0x3  }
0x96: {  	_ =	strace s3  }
0x97: {  	_ =	strace $0x8FFFFFFF  }
0x98: {  	s19 =	sld [smem:$0x3FDB];
	_ =	sdelay $0x1  }
0x99: {  	s4 =	simm.s32 $_scs_section_size  }
0x9a: {  	s5 =	simm.s32 $_size__tile_overlayer_lowered;
	s6 =	simm.s32 $_tile_overlayer_lowered  }
0x9b: {  	s22 =	simm.s32 $0x1BFF;
	s21 =	sshll.u32 s6, $0x1;
	s3 =	sadd.s32 s4, s19  }
0x9c: {  	s7 =	simm.s32 $0x0;
	s20 =	sshll.u32 s5, $0x1;
	s5 =	sadd.s32 s21, s3  }
0x9d: {  	[timem:s7], [sflag:s22] =	dma.local [hbm:s5], s20  }
0x9e: {  	_ =	swait.ge [sflag:s22], s20  }
0x9f: {  	s4 =	ssub.s32 $0x0, s20;
	[sflag:s22] =	ssyncset.done $0x0  }
0xa0: {  	[sflag:s22] =	ssyncadd.s32 s4;
	_ =	sdelay $0x1  }
0xa1: {  	s23 =	simm.s32 $0x1B8B  }
0xa2: {  	_ =	swait.ge [sflag:s23], $0x1  }
0xa3: {  	[sflag:s23] =	ssyncset.done $0x0  }
0xa4: {  	s25 =	simm.s32 $0x1B8E;
	s24 =	sld [smem:$0x3FFE];
	[sflag:s23] =	ssyncadd.s32 $0xFFFFFFFF  }
0xa5: {  	s26 =	simm.s32 $execute0_lowered;
	[smem:$0x3FD2] =	sst s25  }
0xa6: {  	s5 =	sshll.u32 s26, $0x1;
	_ =	strace $0x80000049;
	[dreg:$0x1] =	wrdreg $0xFFFFFFFF  }
0xa7: {  	s28 =	simm.s32 $_size_execute0_lowered;
	s3 =	sadd.s32 s3, s5;
	[dreg:$0x0] =	wrdreg $0x0  }
0xa8: {  	s5 =	sshll.u32 s28, $0x1;
	[dreg:$0x2] =	wrdreg s3  }
0xa9: {  	[dreg:$0x3] =	wrdreg s5  }
0xaa: {  	[dreg:$0x4] =	wrdreg $0xC0  }
0xab: {  	_ =	task [dreg:s7], $0x5FFFF  }
0xac: {  	[dreg:$0x1] =	wrdreg $0xFFFFFFFF  }
0xad: {  	[dreg:$0x0] =	wrdreg $0x60  }
0xae: {  	[dreg:$0x2] =	wrdreg s24  }
0xaf: {  	[dreg:$0x3] =	wrdreg s2  }
0xb0: {  	[dreg:$0x4] =	wrdreg $0xA0000  }
0xb1: {  	[dreg:$0x5] =	wrdreg $0x9  }
0xb2: {  	_ =	task.clear_ibuf [dreg:s7], $0x6FFFF;
	_ =	strace $0x90000049  }
0xb3: {  	s29 =	simm.s32 $0x9;
	_ =	strace $0x8000004B  }
0xb4: {  	_ =	swait.ge [sflag:s29], $0x1  }
0xb5: {  	[sflag:s29] =	ssyncadd.s32 $0xFFFFFFFF  }
0xb6: {  	_ =	strace $0x9000004B  }
0xb7: {  	_ =	sfence  }
0xb8: {  	s30 =	sld [smem:$0x0];
	_ =	sdelay $0x2  }
0xb9: {  	s31 =	sshll.u32 s1, $0xD;
	s1 =	sshrl.u32 s1, $0x2  }
0xba: {  	s3 =	sand.u32 $0x4000, s31;
	s1 =	sadd.s32 s1, s30  }
0xbb: {  	s0 =	sor.u32 s3, s0;
	s1 =	sshll.u32 s1, $0x11  }
0xbc: {  	s0 =	sor.u32 s1, s0  }
0xbd: {  	s0 =	sadd.s32 $0x8F2B, s0  }
0xbe: {  	[sflag:s0] =	ssyncadd.remote.s32 $0x1  }
0xbf: {  	_ =	sfence.sel $0xFFFF  }
0xc0: {  	[dreg:$0x0] =	wrdreg $0xFFFFFFFF;
	(pc) =	sbr.abs _section_cstart, $3  }
0xc1: {  	[dreg:$0x1] =	wrdreg $0xFFFFFFFF  }
0xc2: {  	_ =	task.clear_ibuf [dreg:s7], $0x2FFFF;
	_ =	strace $0x9FFFFFFF  }
0xc3: {  	(tm) =	ssettm $0x7FFFFFFF  }
tec
execute0_lowered:
.L_overlay_start_1:
0x0: {  	(tag) =	ssettag $0x1  }
0x1: {  	s5 =	rddreg [dreg:$0x0]  }
0x2: {  	s12 =	rddreg [dreg:$0x1]  }
0x3: {  	s1 =	rddreg [dreg:$0x2]  }
0x4: {  	s2 =	srdreg.scid;
	s0 =	rddreg [dreg:$0x3]  }
0x5: {  	s3 =	simm.s32 $0x0;
	s16 =	simm.s32 $0x2;
	s17 =	simm.s32 $0x80  }
0x6: {  	s18 =	simm.s32 $0x1;
	s6 =	sand.u32 $0x1, s2;
	s2 =	stileid.u32  }
0x7: {  	[smem:$0x7FF] =	sst s3;
	s7 =	smul.u32 $0x140000, s6;
	s4 =	sshll.u32 s2, $0x1  }
0x8: {  	s8 =	smul.u32 $0x14000, s2;
	_ =	strace $0x8000004A;
	s28 =	ssub.s32 $0x2, s6  }
0x9: {  	s29 =	smul.u32 $0x50000, s2;
	p0 =	seq.s32 s6, $0x0;
	s19 =	sshll.u32 s2, $0x6  }
0xa: {  	s9 =	sor.u32 s6, s4;
	s4 =	sadd.s32 $0x18000, s5;
	s30 =	sshrl.u32 s28, $0x1  }
0xb: {  	s19 =	sor.u32 $0x1C02, s19;
	s13 =	smul.u32 $0x600, s9;
	s7 =	sadd.s32 s8, s7  }
0xc: {  	s31 =	sshrl.u32 s29, $0x2;
	s15 =	ssub.s32 s28, s30;
	s7 =	sshrl.u32 s7, $0x3  }
0xd: {  	s6 =	sadd.s32 s31, s1;
	s11 =	sadd.s32 s13, s5;
	s14 =	sadd.s32 s7, s5  }
0xe: {  	s5 =	simm.s32 $0x5C;
	s7 =	sadd.s32 $0x4000, s6;
	s8 =	sadd.s32 $0x8000, s6  }
0xf: {  	s9 =	sadd.s32 $0xC000, s6;
	s10 =	sadd.s32 $0x10000, s6;
	s12 =	sadd.s32 s12, s13  }
0x10: {  	s20 =	sshrl.u32 s6, $0x3;
	s5 =	simm.s32 @!p0 $0x41;
	s11 =	sadd.s32 $0xC000, s11  }
0x11: {  	v0 =	vimm.f32 $0.0e+00;
	s13 =	sadd.s32 $0x40000, s14;
	s14 =	smax.u32 s15, $0x1;
	s15 =	simm.s32 $0x6000  }
.LBB2_1:
0x12: {  	s21 =	simm.s32 $0x0;
	s22 =	simm.s32 $0x200  }
.LBB2_2:
0x13: {  	p0 =	sne.s32 s22, $0xFE00;
	[tilespmem:s21+$0x6070] =	vst v0  }
0x14: {  	[tilespmem:s21+$0x6000] =	vst v0  }
0x15: {  	[tilespmem:s21+$0x6010] =	vst v0  }
.Ltmp0:
0x16: {  	[tilespmem:s21+$0x6020] =	vst v0;
	(pc) =	sbr.rel @p0 .LBB2_2-.Ltmp0, $4  }
0x17: {  	[tilespmem:s21+$0x6030] =	vst v0  }
0x18: {  	[tilespmem:s21+$0x6040] =	vst v0  }
0x19: {  	[tilespmem:s21+$0x6050] =	vst v0  }
0x1a: {  	[tilespmem:s21+$0x6060] =	vst v0;
	s21 =	sshra.s32 s22, $0x2;
	s22 =	sadd.s32 $0x200, s22  }
0x1b: {  	[tilespmem:s21+$0x6070] =	vst v0  }
0x1c: {  	[tilespmem:s21+$0x6000] =	vst v0  }
0x1d: {  	[tilespmem:s21+$0x6010] =	vst v0  }
0x1e: {  	[tilespmem:s21+$0x6020] =	vst v0  }
0x1f: {  	[tilespmem:s21+$0x6030] =	vst v0  }
0x20: {  	[tilespmem:s21+$0x6040] =	vst v0  }
0x21: {  	[tilespmem:s21+$0x6050] =	vst v0  }
0x22: {  	[tilespmem:s21+$0x6060] =	vst v0  }
0x23: {  	[spmem:s6] =	stream.linear.scatter [tilespmem:s15], [sflag:$0x2], $0x4000, $0x38;
	[tilespmem:$0x1E000] =	vst v63  }
0x24: {  	_ =	swait.ge [sflag:s16], $0x4000  }
0x25: {  	[sflag:s16] =	ssyncset.done $0x0  }
0x26: {  	[sflag:s16] =	ssyncadd.s32 $0xFFFFC000  }
0x27: {  	[spmem:s7] =	stream.linear.scatter [tilespmem:s15], [sflag:$0x2], $0x4000, $0x38;
	[tilespmem:$0x1E000] =	vst v63  }
0x28: {  	_ =	swait.ge [sflag:s16], $0x4000  }
0x29: {  	[sflag:s16] =	ssyncset.done $0x0  }
0x2a: {  	[sflag:s16] =	ssyncadd.s32 $0xFFFFC000  }
0x2b: {  	[spmem:s8] =	stream.linear.scatter [tilespmem:s15], [sflag:$0x2], $0x4000, $0x38;
	[tilespmem:$0x1E000] =	vst v63  }
0x2c: {  	_ =	swait.ge [sflag:s16], $0x4000  }
0x2d: {  	[sflag:s16] =	ssyncset.done $0x0  }
0x2e: {  	[sflag:s16] =	ssyncadd.s32 $0xFFFFC000  }
0x2f: {  	[spmem:s9] =	stream.linear.scatter [tilespmem:s15], [sflag:$0x2], $0x4000, $0x38;
	[tilespmem:$0x1E000] =	vst v63  }
0x30: {  	_ =	swait.ge [sflag:s16], $0x4000  }
0x31: {  	[sflag:s16] =	ssyncset.done $0x0  }
0x32: {  	[sflag:s16] =	ssyncadd.s32 $0xFFFFC000  }
0x33: {  	[spmem:s10] =	stream.linear.scatter [tilespmem:s15], [sflag:$0x2], $0x4000, $0x38;
	[tilespmem:$0x1E000] =	vst v63  }
0x34: {  	_ =	swait.ge [sflag:s16], $0x4000  }
0x35: {  	[sflag:s16] =	ssyncset.done $0x0  }
0x36: {  	s21 =	simm.s32 $0x0;
	[sflag:s16] =	ssyncadd.s32 $0xFFFFC000  }
0x37: {  	[tilespmem:s21], [sflag:$0x2] =	stream.linear.gather [hbm4b:s11+s21], $0x2E00, $0x38;
	[tilespmem:$0x1E000] =	vst v63  }
0x38: {  	_ =	swait.ge [sflag:s16], $0x2E00  }
0x39: {  	[sflag:s16] =	ssyncset.done $0x0  }
0x3a: {  	s22 =	simm.s32 $0x3000;
	[sflag:s16] =	ssyncadd.s32 $0xFFFFD200  }
0x3b: {  	[tilespmem:s22], [sflag:$0x2] =	stream.linear.gather [hbm4b:s12+s21], $0x2E00, $0x38;
	[tilespmem:$0x1E000] =	vst v63  }
0x3c: {  	_ =	swait.ge [sflag:s16], $0x2E00  }
0x3d: {  	[sflag:s16] =	ssyncset.done $0x0  }
0x3e: {  	[sflag:s16] =	ssyncadd.s32 $0xFFFFD200  }
0x3f: {  	[bflag:$0x0] =	sbarrier.arrive $0xFFFF  }
0x40: {  	[tilespmem:s15], [sflag:$0x1] =	stream.indirect.gather [hbm4b:s4+s17], $0x80, s21, s17, $0xb8;
	[tilespmem:$0x1E000] =	vst v63  }
0x41: {  	p0 =	sne.s32 s5, $0x1;
	_ =	swait.ge [sflag:s18], $0x4000  }
.Ltmp1:
0x42: {  	[sflag:s18] =	ssyncset.done $0x0;
	(pc) =	sbr.rel @!p0 .LBB2_5-.Ltmp1, $4  }
0x43: {  	[sflag:s18] =	ssyncadd.s32 $0xFFFFC000  }
0x44: {  	[spmem:s1] =	stream.indirect.scatter.add.f32 [tilespmem:s15], [sflag:$0x2], $0x80, s22, s17, $0xb8;
	[tilespmem:$0x1E000] =	vst v63  }
0x45: {  	_ =	swait.ge [sflag:s16], $0x4000  }
0x46: {  	s23 =	sadd.s32 $0xFFFFFFFF, s5;
	[sflag:s16] =	ssyncset.done $0x0  }
.LBB2_4:
0x47: {  	[sflag:s16] =	ssyncadd.s32 $0xFFFFC000;
	s21 =	sadd.s32 $0x80, s21;
	s22 =	sadd.s32 $0x80, s22  }
0x48: {  	[tilespmem:s15], [sflag:$0x1] =	stream.indirect.gather [hbm4b:s4+s17], $0x80, s21, s17, $0xb8;
	[tilespmem:$0x1E000] =	vst v63  }
0x49: {  	p0 =	sne.s32 s23, $0x1;
	s23 =	sadd.s32 $0xFFFFFFFF, s23;
	_ =	swait.ge [sflag:s18], $0x4000  }
.Ltmp2:
0x4a: {  	[sflag:s18] =	ssyncset.done $0x0;
	(pc) =	sbr.rel @p0 .LBB2_4-.Ltmp2, $4  }
0x4b: {  	[sflag:s18] =	ssyncadd.s32 $0xFFFFC000  }
0x4c: {  	[spmem:s1] =	stream.indirect.scatter.add.f32 [tilespmem:s15], [sflag:$0x2], $0x80, s22, s17, $0xb8;
	[tilespmem:$0x1E000] =	vst v63  }
0x4d: {  	_ =	swait.ge [sflag:s16], $0x4000  }
0x4e: {  	[sflag:s16] =	ssyncset.done $0x0  }
.LBB2_5:
0x4f: {  	s3 =	sadd.s32 $0x1, s3  }
0x50: {  	[sflag:s16] =	ssyncadd.s32 $0xFFFFC000;
	p0 =	sne.s32 s3, s14  }
.Ltmp3:
0x51: {  	[bflag:$0x0] =	sbarrier.arrive $0xFFFF;
	(pc) =	sbr.rel @p0 .LBB2_1-.Ltmp3, $4  }
0x52: {  	[hbm:s13], [sflag:s19] =	dma.local [spmem:s20], $0x2800  }
0x53: {  	_ =	swait.ge [sflag:s16], $0x2800  }
0x54: {  	[sflag:s16] =	ssyncset.done $0x0  }
0x55: {  	[sflag:s16] =	ssyncadd.s32 $0xFFFFD800  }
0x56: {  	_ =	sfence.sel $0x180000  }
0x57: {  	[bflag:$0x0] =	sbarrier.arrive $0xFFFF  }
0x58: {  	p0 =	sne.s32 s2, $0x0;
	_ =	strace $0x9000004A  }
0x59: {  	s0 =	sadd.s32 @!p0 $0x100000, s0;
	[bflag:$0x2] =	sbarrier.arrive $0xFFFF  }
0x5a: {  	[sflag:s0] =	ssyncadd.tile.s32 @!p0 $0x1;
	_ =	shalt  }
.Lfunc_end2:
_tile_overlayer_lowered:
.L_overlay_start_2:
0x5b: {  	(tag) =	ssettag $0x2  }
0x5c: {  	s0 =	rddreg [dreg:$0x0];
	s2 =	stileid.u32  }
0x5d: {  	s1 =	rddreg [dreg:$0x1];
	p0 =	sne.s32 s2, $0x0  }
0x5e: {  	s3 =	rddreg [dreg:$0x2];
	[bflag:$0x3] =	sbarrier.arrive $0xFFFF;
	s2 =	simm.s32 @!p0 $0x1C02  }
0x5f: {  	[timem:s3], [sflag:s2] =	dma.local @!p0 [hbm:s0], s1  }
0x60: {  	s0 =	simm.s32 @!p0 $0x2  }
0x61: {  	_ =	swait.ge @!p0 [sflag:s0], s1  }
0x62: {  	s1 =	ssub.s32 @!p0 $0x0, s1;
	[sflag:s0] =	ssyncset.done @!p0 $0x0  }
0x63: {  	[sflag:s0] =	ssyncadd.s32 @!p0 s1  }
0x64: {  	[bflag:$0x3] =	sbarrier.arrive $0xFFFF  }
0x65: {  	_ =	shalt  }

</sc_bundles>
